<compile_context>
chip_gen: v7x
topology: tpu7x:2x2x1
jax: 0.10.2.dev20260603
libtpu: 0.0.44.dev20260713+nightly
codegen_flags: <defaults>
</compile_context>

<pallas_src>
import functools

import jax
import jax.numpy as jnp
from jax import lax
from jax.experimental import pallas as pl
from jax.experimental.pallas import tpu as pltpu
from jax.experimental.pallas import tpu_sc as plsc

TOTAL = 8192
LANES = 16


def _build(B, N, C, NC, NS):
    NW = NC * NS
    rows_w = TOTAL // NW
    CH = 32
    NCH = rows_w // CH
    GPC = CH // LANES
    NB = 4

    mesh = plsc.VectorSubcoreMesh(core_axis_name="c", subcore_axis_name="s")

    @functools.partial(
        pl.kernel,
        out_type=jax.ShapeDtypeStruct((TOTAL, C), jnp.float32),
        mesh=mesh,
        compiler_params=pltpu.CompilerParams(needs_layout_passes=False),
        scratch_types=[
            pltpu.VMEM((LANES,), jnp.int32),
            pltpu.VMEM((NCH, CH), jnp.int32),
            pltpu.VMEM((NB, CH, C), jnp.float32),
            [pltpu.SemaphoreType.DMA] * NB,
            [pltpu.SemaphoreType.DMA] * NB,
        ],
    )
    def k(x_hbm, offs_hbm, out_hbm, offs_v, idx_v, bufs, gsems, ssems):
        wid = lax.axis_index("s") * NC + lax.axis_index("c")
        base = wid * rows_w

        pltpu.sync_copy(offs_hbm, offs_v)

        bounds = [
            plsc.load_gather(offs_v, [jnp.full((LANES,), j, jnp.int32)])
            for j in range(1, B + 1)
        ]

        gath = [None] * NB
        stor = [None] * NB

        def fire_gather(c):
            s = c % NB
            if stor[s] is not None:
                stor[s].wait()
            gath[s] = pltpu.async_copy(x_hbm.at[idx_v.at[c]], bufs.at[s], gsems[s])

        for g in range(rows_w // LANES):
            tok = base + g * LANES + lax.iota(jnp.int32, 16)
            b = jnp.zeros((LANES,), jnp.int32)
            for bd in bounds:
                b = b + (bd <= tok).astype(jnp.int32)
            start = plsc.load_gather(offs_v, [b])
            row = b * N + (tok - start)
            idx_v[g // GPC, pl.ds((g % GPC) * LANES, LANES)] = row
            c = g // GPC
            if g % GPC == GPC - 1 and c < NB:
                fire_gather(c)

        for c in range(NCH):
            s = c % NB
            gath[s].wait()
            stor[s] = pltpu.async_copy(
                bufs.at[s], out_hbm.at[pl.ds(base + c * CH, CH)], ssems[s]
            )
            if c + NB < NCH:
                fire_gather(c + NB)
        for s in range(NB):
            if stor[s] is not None:
                stor[s].wait()

    return k


def kernel(x, offsets):
    B, N, C = x.shape
    info = plsc.get_sparse_core_info()
    xflat = x.reshape(B * N, C)
    offs_pad = jnp.zeros((LANES,), jnp.int32).at[: B + 1].set(offsets)
    k = _build(B, N, C, info.num_cores, info.num_subcores)
    return k(xflat, offs_pad)

# --- scband reference (transcript-rebuilt; emitter-appended) ---
"""Pipeline reference for scband-to-spatial-features-39118562132310 (READ-ONLY COPY).

The authoritative reference and input builder live on the scoring server;
editing this copy changes nothing except your own understanding.
"""

import jax, jax.numpy as jnp
import numpy as np

B = 8
N = 2048
C = 512
TOTAL_TOKENS = 8192


def setup_inputs(seed: int = 0) -> dict:
    key = jax.random.key(seed)
    x = jax.random.normal(key, (B, N, C), dtype=jnp.float32)
    # Ragged lengths (each <= max_seqlen N), summing to TOTAL_TOKENS
    lengths = np.array([512, 1536, 1024, 2048, 256, 768, 1280, 768], dtype=np.int64)
    assert int(lengths.sum()) == TOTAL_TOKENS
    offsets = jnp.asarray(np.concatenate([[0], np.cumsum(lengths)]), dtype=jnp.int32)
    return {"x": x, "offsets": offsets}


def reference(x, offsets):
    # pad_to_cat: convert padded batched features [B, N, C] into concatenated
    # ragged features [total_tokens, C] according to target.offsets.
    tok = jnp.arange(TOTAL_TOKENS, dtype=jnp.int32)
    # batch id of each flat token: rightmost offset <= tok
    b = jnp.searchsorted(offsets, tok, side='right') - 1
    # position within the sequence
    p = tok - offsets[b]
    feats = x[b, p]  # gather -> [total_tokens, C]
    return feats

if __name__ == "__main__":
    import jax
    _d = setup_inputs()
    print(jax.jit(kernel)(*tuple(_d.values())))

</pallas_src>

<mosaic_0001>
#map = affine_map<(d0, d1) -> (0, 0)>
#map1 = affine_map<(d0, d1) -> (0)>
module attributes {stable_mosaic.version = 14 : i64} {
  func.func @k(%arg0: i32, %arg1: i32, %arg2: memref<16384x512xf32, #tpu.memory_space<hbm>>, %arg3: memref<16xi32, #tpu.memory_space<hbm>>, %arg4: memref<8192x512xf32, #tpu.memory_space<hbm>>, %arg5: memref<16xi32, #tpu.memory_space<vmem>>, %arg6: memref<8x32xi32, #tpu.memory_space<vmem>>, %arg7: memref<4x32x512xf32, #tpu.memory_space<vmem>>, %arg8: memref<!tpu.dma_semaphore, #tpu.memory_space<semaphore_mem>>, %arg9: memref<!tpu.dma_semaphore, #tpu.memory_space<semaphore_mem>>, %arg10: memref<!tpu.dma_semaphore, #tpu.memory_space<semaphore_mem>>, %arg11: memref<!tpu.dma_semaphore, #tpu.memory_space<semaphore_mem>>, %arg12: memref<!tpu.dma_semaphore, #tpu.memory_space<semaphore_mem>>, %arg13: memref<!tpu.dma_semaphore, #tpu.memory_space<semaphore_mem>>, %arg14: memref<!tpu.dma_semaphore, #tpu.memory_space<semaphore_mem>>, %arg15: memref<!tpu.dma_semaphore, #tpu.memory_space<semaphore_mem>>) attributes {dimension_semantics = [#tpu.dimension_semantics<core_parallel>, #tpu.dimension_semantics<subcore_parallel>], iteration_bounds = array<i64: 2, 16>, scalar_prefetch = 0 : i64, scratch_operands = 11 : i64, tpu.core_type = #tpu.core_type<sc_vector_subcore>, window_params = [{transform_indices = #map}, {transform_indices = #map1}, {transform_indices = #map}]} {
    %mul3A = arith.constant 2 : i32
    %mul3A_0 = arith.muli %arg1, %mul3A : i32
    %add3A = arith.addi %mul3A_0, %arg0 : i32
    %mul3A_1 = arith.constant 256 : i32
    %mul3A_2 = arith.muli %add3A, %mul3A_1 : i32
    "tpu.region"() ({
      %run_scoped3A = tpu.sem_alloc : memref<!tpu.dma_semaphore, #tpu.memory_space<semaphore_mem>>
      tpu.enqueue_dma source(%arg3 : memref<16xi32, #tpu.memory_space<hbm>>) target(%arg5 : memref<16xi32, #tpu.memory_space<vmem>>) target_semaphore(%run_scoped3A : memref<!tpu.dma_semaphore, #tpu.memory_space<semaphore_mem>>)
      tpu.wait_dma2 semaphore(%run_scoped3A : memref<!tpu.dma_semaphore, #tpu.memory_space<semaphore_mem>>) src(%arg3 : memref<16xi32, #tpu.memory_space<hbm>>) dst(%arg5 : memref<16xi32, #tpu.memory_space<vmem>>)
      tpu.yield
    }) : () -> ()
    %broadcast_in_dim3A = arith.constant 1 : i32
    %broadcast_in_dim3A_3 = vector.broadcast %broadcast_in_dim3A : i32 to vector<16xi32>
    %gather3A = tpu.vector_load_idx %arg5[%broadcast_in_dim3A_3] : memref<16xi32, #tpu.memory_space<vmem>>[vector<16xi32>], vector<16xi32>,
    %broadcast_in_dim3A_4 = arith.constant 2 : i32
    %broadcast_in_dim3A_5 = vector.broadcast %broadcast_in_dim3A_4 : i32 to vector<16xi32>
    %gather3A_6 = tpu.vector_load_idx %arg5[%broadcast_in_dim3A_5] : memref<16xi32, #tpu.memory_space<vmem>>[vector<16xi32>], vector<16xi32>,
    %broadcast_in_dim3A_7 = arith.constant 3 : i32
    %broadcast_in_dim3A_8 = vector.broadcast %broadcast_in_dim3A_7 : i32 to vector<16xi32>
    %gather3A_9 = tpu.vector_load_idx %arg5[%broadcast_in_dim3A_8] : memref<16xi32, #tpu.memory_space<vmem>>[vector<16xi32>], vector<16xi32>,
    %broadcast_in_dim3A_10 = arith.constant 4 : i32
    %broadcast_in_dim3A_11 = vector.broadcast %broadcast_in_dim3A_10 : i32 to vector<16xi32>
    %gather3A_12 = tpu.vector_load_idx %arg5[%broadcast_in_dim3A_11] : memref<16xi32, #tpu.memory_space<vmem>>[vector<16xi32>], vector<16xi32>,
    %broadcast_in_dim3A_13 = arith.constant 5 : i32
    %broadcast_in_dim3A_14 = vector.broadcast %broadcast_in_dim3A_13 : i32 to vector<16xi32>
    %gather3A_15 = tpu.vector_load_idx %arg5[%broadcast_in_dim3A_14] : memref<16xi32, #tpu.memory_space<vmem>>[vector<16xi32>], vector<16xi32>,
    %broadcast_in_dim3A_16 = arith.constant 6 : i32
    %broadcast_in_dim3A_17 = vector.broadcast %broadcast_in_dim3A_16 : i32 to vector<16xi32>
    %gather3A_18 = tpu.vector_load_idx %arg5[%broadcast_in_dim3A_17] : memref<16xi32, #tpu.memory_space<vmem>>[vector<16xi32>], vector<16xi32>,
    %broadcast_in_dim3A_19 = arith.constant 7 : i32
    %broadcast_in_dim3A_20 = vector.broadcast %broadcast_in_dim3A_19 : i32 to vector<16xi32>
    %gather3A_21 = tpu.vector_load_idx %arg5[%broadcast_in_dim3A_20] : memref<16xi32, #tpu.memory_space<vmem>>[vector<16xi32>], vector<16xi32>,
    %broadcast_in_dim3A_22 = arith.constant 8 : i32
    %broadcast_in_dim3A_23 = vector.broadcast %broadcast_in_dim3A_22 : i32 to vector<16xi32>
    %gather3A_24 = tpu.vector_load_idx %arg5[%broadcast_in_dim3A_23] : memref<16xi32, #tpu.memory_space<vmem>>[vector<16xi32>], vector<16xi32>,
    %add3A_25 = arith.constant 0 : i32
    %add3A_26 = arith.addi %mul3A_2, %add3A_25 : i32
    %iota3A = tpu.iota {dimensions = array<i32: 0>} : vector<16xi32>
    %add3A_27 = vector.broadcast %add3A_26 : i32 to vector<16xi32>
    %add3A_28 = arith.addi %add3A_27, %iota3A : vector<16xi32>
    %broadcast_in_dim3A_29 = arith.constant 0 : i32
    %broadcast_in_dim3A_30 = vector.broadcast %broadcast_in_dim3A_29 : i32 to vector<16xi32>
    %le3A = arith.cmpi sle, %gather3A, %add3A_28 : vector<16xi32>
    %convert_element_type3A = arith.extui %le3A : vector<16xi1> to vector<16xi32>
    %add3A_31 = arith.addi %broadcast_in_dim3A_30, %convert_element_type3A : vector<16xi32>
    %le3A_32 = arith.cmpi sle, %gather3A_6, %add3A_28 : vector<16xi32>
    %convert_element_type3A_33 = arith.extui %le3A_32 : vector<16xi1> to vector<16xi32>
    %add3A_34 = arith.addi %add3A_31, %convert_element_type3A_33 : vector<16xi32>
    %le3A_35 = arith.cmpi sle, %gather3A_9, %add3A_28 : vector<16xi32>
    %convert_element_type3A_36 = arith.extui %le3A_35 : vector<16xi1> to vector<16xi32>
    %add3A_37 = arith.addi %add3A_34, %convert_element_type3A_36 : vector<16xi32>
    %le3A_38 = arith.cmpi sle, %gather3A_12, %add3A_28 : vector<16xi32>
    %convert_element_type3A_39 = arith.extui %le3A_38 : vector<16xi1> to vector<16xi32>
    %add3A_40 = arith.addi %add3A_37, %convert_element_type3A_39 : vector<16xi32>
    %le3A_41 = arith.cmpi sle, %gather3A_15, %add3A_28 : vector<16xi32>
    %convert_element_type3A_42 = arith.extui %le3A_41 : vector<16xi1> to vector<16xi32>
    %add3A_43 = arith.addi %add3A_40, %convert_element_type3A_42 : vector<16xi32>
    %le3A_44 = arith.cmpi sle, %gather3A_18, %add3A_28 : vector<16xi32>
    %convert_element_type3A_45 = arith.extui %le3A_44 : vector<16xi1> to vector<16xi32>
    %add3A_46 = arith.addi %add3A_43, %convert_element_type3A_45 : vector<16xi32>
    %le3A_47 = arith.cmpi sle, %gather3A_21, %add3A_28 : vector<16xi32>
    %convert_element_type3A_48 = arith.extui %le3A_47 : vector<16xi1> to vector<16xi32>
    %add3A_49 = arith.addi %add3A_46, %convert_element_type3A_48 : vector<16xi32>
    %le3A_50 = arith.cmpi sle, %gather3A_24, %add3A_28 : vector<16xi32>
    %convert_element_type3A_51 = arith.extui %le3A_50 : vector<16xi1> to vector<16xi32>
    %add3A_52 = arith.addi %add3A_49, %convert_element_type3A_51 : vector<16xi32>
    %gather3A_53 = tpu.vector_load_idx %arg5[%add3A_52] : memref<16xi32, #tpu.memory_space<vmem>>[vector<16xi32>], vector<16xi32>,
    %mul3A_54 = arith.constant 2048 : i32
    %mul3A_55 = vector.broadcast %mul3A_54 : i32 to vector<16xi32>
    %mul3A_56 = arith.muli %add3A_52, %mul3A_55 : vector<16xi32>
    %sub3A = arith.subi %add3A_28, %gather3A_53 : vector<16xi32>
    %add3A_57 = arith.addi %mul3A_56, %sub3A : vector<16xi32>
    %swap3A = arith.constant 0 : i32
    %swap3A_58 = arith.index_cast %swap3A : i32 to index
    %swap3A_59 = arith.constant 0 : index
    %swap3A_60 = tpu.vector_load %arg6[%swap3A_58, %swap3A_59] {strides = array<i32>} : memref<8x32xi32, #tpu.memory_space<vmem>>, vector<16xi32>,
    tpu.vector_store %arg6[%swap3A_58, %swap3A_59], %add3A_57 {strides = array<i32>} : memref<8x32xi32, #tpu.memory_space<vmem>>, vector<16xi32>,
    %add3A_61 = arith.constant 16 : i32
    %add3A_62 = arith.addi %mul3A_2, %add3A_61 : i32
    %iota3A_63 = tpu.iota {dimensions = array<i32: 0>} : vector<16xi32>
    %add3A_64 = vector.broadcast %add3A_62 : i32 to vector<16xi32>
    %add3A_65 = arith.addi %add3A_64, %iota3A_63 : vector<16xi32>
    %broadcast_in_dim3A_66 = arith.constant 0 : i32
    %broadcast_in_dim3A_67 = vector.broadcast %broadcast_in_dim3A_66 : i32 to vector<16xi32>
    %le3A_68 = arith.cmpi sle, %gather3A, %add3A_65 : vector<16xi32>
    %convert_element_type3A_69 = arith.extui %le3A_68 : vector<16xi1> to vector<16xi32>
    %add3A_70 = arith.addi %broadcast_in_dim3A_67, %convert_element_type3A_69 : vector<16xi32>
    %le3A_71 = arith.cmpi sle, %gather3A_6, %add3A_65 : vector<16xi32>
    %convert_element_type3A_72 = arith.extui %le3A_71 : vector<16xi1> to vector<16xi32>
    %add3A_73 = arith.addi %add3A_70, %convert_element_type3A_72 : vector<16xi32>
    %le3A_74 = arith.cmpi sle, %gather3A_9, %add3A_65 : vector<16xi32>
    %convert_element_type3A_75 = arith.extui %le3A_74 : vector<16xi1> to vector<16xi32>
    %add3A_76 = arith.addi %add3A_73, %convert_element_type3A_75 : vector<16xi32>
    %le3A_77 = arith.cmpi sle, %gather3A_12, %add3A_65 : vector<16xi32>
    %convert_element_type3A_78 = arith.extui %le3A_77 : vector<16xi1> to vector<16xi32>
    %add3A_79 = arith.addi %add3A_76, %convert_element_type3A_78 : vector<16xi32>
    %le3A_80 = arith.cmpi sle, %gather3A_15, %add3A_65 : vector<16xi32>
    %convert_element_type3A_81 = arith.extui %le3A_80 : vector<16xi1> to vector<16xi32>
    %add3A_82 = arith.addi %add3A_79, %convert_element_type3A_81 : vector<16xi32>
    %le3A_83 = arith.cmpi sle, %gather3A_18, %add3A_65 : vector<16xi32>
    %convert_element_type3A_84 = arith.extui %le3A_83 : vector<16xi1> to vector<16xi32>
    %add3A_85 = arith.addi %add3A_82, %convert_element_type3A_84 : vector<16xi32>
    %le3A_86 = arith.cmpi sle, %gather3A_21, %add3A_65 : vector<16xi32>
    %convert_element_type3A_87 = arith.extui %le3A_86 : vector<16xi1> to vector<16xi32>
    %add3A_88 = arith.addi %add3A_85, %convert_element_type3A_87 : vector<16xi32>
    %le3A_89 = arith.cmpi sle, %gather3A_24, %add3A_65 : vector<16xi32>
    %convert_element_type3A_90 = arith.extui %le3A_89 : vector<16xi1> to vector<16xi32>
    %add3A_91 = arith.addi %add3A_88, %convert_element_type3A_90 : vector<16xi32>
    %gather3A_92 = tpu.vector_load_idx %arg5[%add3A_91] : memref<16xi32, #tpu.memory_space<vmem>>[vector<16xi32>], vector<16xi32>,
    %mul3A_93 = arith.constant 2048 : i32
    %mul3A_94 = vector.broadcast %mul3A_93 : i32 to vector<16xi32>
    %mul3A_95 = arith.muli %add3A_91, %mul3A_94 : vector<16xi32>
    %sub3A_96 = arith.subi %add3A_65, %gather3A_92 : vector<16xi32>
    %add3A_97 = arith.addi %mul3A_95, %sub3A_96 : vector<16xi32>
    %swap3A_98 = arith.constant 0 : i32
    %swap3A_99 = arith.index_cast %swap3A_98 : i32 to index
    %swap3A_100 = arith.constant 16 : index
    %swap3A_101 = tpu.vector_load %arg6[%swap3A_99, %swap3A_100] {strides = array<i32>} : memref<8x32xi32, #tpu.memory_space<vmem>>, vector<16xi32>,
    tpu.vector_store %arg6[%swap3A_99, %swap3A_100], %add3A_97 {strides = array<i32>} : memref<8x32xi32, #tpu.memory_space<vmem>>, vector<16xi32>,
    %dma_start3A = arith.constant 0 : i32
    %dma_start3A_102 = arith.constant 0 : i32
    %dma_start3A_103 = arith.constant 0 : i32
    %dma_start3A_104 = arith.constant 0 : i32
    %dma_start3A_105 = tpu.memref_slice %arg7[%dma_start3A_102, %dma_start3A_103, %dma_start3A_104] : memref<4x32x512xf32, #tpu.memory_space<vmem>> -> memref<1x32x512xf32, #tpu.memory_space<vmem>>
    %dma_start3A_106 = tpu.memref_squeeze %dma_start3A_105 : memref<1x32x512xf32, #tpu.memory_space<vmem>> -> memref<32x512xf32, #tpu.memory_space<vmem>>
    %dma_start3A_107 = arith.constant 0 : i32
    %dma_start3A_108 = tpu.memref_slice %arg6[%dma_start3A, %dma_start3A_107] : memref<8x32xi32, #tpu.memory_space<vmem>> -> memref<1x32xi32, #tpu.memory_space<vmem>>
    %dma_start3A_109 = tpu.memref_squeeze %dma_start3A_108 : memref<1x32xi32, #tpu.memory_space<vmem>> -> memref<32xi32, #tpu.memory_space<vmem>>
    %dma_start3A_110 = arith.constant 0 : i32
    %dma_start3A_111 = arith.constant 0 : i32
    %dma_start3A_112 = tpu.memref_slice %arg2[%dma_start3A_110, %dma_start3A_111] : memref<16384x512xf32, #tpu.memory_space<hbm>> -> memref<16384x512xf32, #tpu.memory_space<hbm>>
    tpu.enqueue_indirect_dma source(%dma_start3A_112 : memref<16384x512xf32, #tpu.memory_space<hbm>>) target(%dma_start3A_106 : memref<32x512xf32, #tpu.memory_space<vmem>>) offsets(%dma_start3A_109 : memref<32xi32, #tpu.memory_space<vmem>>) semaphore(%arg8 : memref<!tpu.dma_semaphore, #tpu.memory_space<semaphore_mem>>)
    %add3A_113 = arith.constant 32 : i32
    %add3A_114 = arith.addi %mul3A_2, %add3A_113 : i32
    %iota3A_115 = tpu.iota {dimensions = array<i32: 0>} : vector<16xi32>
    %add3A_116 = vector.broadcast %add3A_114 : i32 to vector<16xi32>
    %add3A_117 = arith.addi %add3A_116, %iota3A_115 : vector<16xi32>
    %broadcast_in_dim3A_118 = arith.constant 0 : i32
    %broadcast_in_dim3A_119 = vector.broadcast %broadcast_in_dim3A_118 : i32 to vector<16xi32>
    %le3A_120 = arith.cmpi sle, %gather3A, %add3A_117 : vector<16xi32>
    %convert_element_type3A_121 = arith.extui %le3A_120 : vector<16xi1> to vector<16xi32>
    %add3A_122 = arith.addi %broadcast_in_dim3A_119, %convert_element_type3A_121 : vector<16xi32>
    %le3A_123 = arith.cmpi sle, %gather3A_6, %add3A_117 : vector<16xi32>
    %convert_element_type3A_124 = arith.extui %le3A_123 : vector<16xi1> to vector<16xi32>
    %add3A_125 = arith.addi %add3A_122, %convert_element_type3A_124 : vector<16xi32>
    %le3A_126 = arith.cmpi sle, %gather3A_9, %add3A_117 : vector<16xi32>
    %convert_element_type3A_127 = arith.extui %le3A_126 : vector<16xi1> to vector<16xi32>
    %add3A_128 = arith.addi %add3A_125, %convert_element_type3A_127 : vector<16xi32>
    %le3A_129 = arith.cmpi sle, %gather3A_12, %add3A_117 : vector<16xi32>
    %convert_element_type3A_130 = arith.extui %le3A_129 : vector<16xi1> to vector<16xi32>
    %add3A_131 = arith.addi %add3A_128, %convert_element_type3A_130 : vector<16xi32>
    %le3A_132 = arith.cmpi sle, %gather3A_15, %add3A_117 : vector<16xi32>
    %convert_element_type3A_133 = arith.extui %le3A_132 : vector<16xi1> to vector<16xi32>
    %add3A_134 = arith.addi %add3A_131, %convert_element_type3A_133 : vector<16xi32>
    %le3A_135 = arith.cmpi sle, %gather3A_18, %add3A_117 : vector<16xi32>
    %convert_element_type3A_136 = arith.extui %le3A_135 : vector<16xi1> to vector<16xi32>
    %add3A_137 = arith.addi %add3A_134, %convert_element_type3A_136 : vector<16xi32>
    %le3A_138 = arith.cmpi sle, %gather3A_21, %add3A_117 : vector<16xi32>
    %convert_element_type3A_139 = arith.extui %le3A_138 : vector<16xi1> to vector<16xi32>
    %add3A_140 = arith.addi %add3A_137, %convert_element_type3A_139 : vector<16xi32>
    %le3A_141 = arith.cmpi sle, %gather3A_24, %add3A_117 : vector<16xi32>
    %convert_element_type3A_142 = arith.extui %le3A_141 : vector<16xi1> to vector<16xi32>
    %add3A_143 = arith.addi %add3A_140, %convert_element_type3A_142 : vector<16xi32>
    %gather3A_144 = tpu.vector_load_idx %arg5[%add3A_143] : memref<16xi32, #tpu.memory_space<vmem>>[vector<16xi32>], vector<16xi32>,
    %mul3A_145 = arith.constant 2048 : i32
    %mul3A_146 = vector.broadcast %mul3A_145 : i32 to vector<16xi32>
    %mul3A_147 = arith.muli %add3A_143, %mul3A_146 : vector<16xi32>
    %sub3A_148 = arith.subi %add3A_117, %gather3A_144 : vector<16xi32>
    %add3A_149 = arith.addi %mul3A_147, %sub3A_148 : vector<16xi32>
    %swap3A_150 = arith.constant 1 : i32
    %swap3A_151 = arith.index_cast %swap3A_150 : i32 to index
    %swap3A_152 = arith.constant 0 : index
    %swap3A_153 = tpu.vector_load %arg6[%swap3A_151, %swap3A_152] {strides = array<i32>} : memref<8x32xi32, #tpu.memory_space<vmem>>, vector<16xi32>,
    tpu.vector_store %arg6[%swap3A_151, %swap3A_152], %add3A_149 {strides = array<i32>} : memref<8x32xi32, #tpu.memory_space<vmem>>, vector<16xi32>,
    %add3A_154 = arith.constant 48 : i32
    %add3A_155 = arith.addi %mul3A_2, %add3A_154 : i32
    %iota3A_156 = tpu.iota {dimensions = array<i32: 0>} : vector<16xi32>
    %add3A_157 = vector.broadcast %add3A_155 : i32 to vector<16xi32>
    %add3A_158 = arith.addi %add3A_157, %iota3A_156 : vector<16xi32>
    %broadcast_in_dim3A_159 = arith.constant 0 : i32
    %broadcast_in_dim3A_160 = vector.broadcast %broadcast_in_dim3A_159 : i32 to vector<16xi32>
    %le3A_161 = arith.cmpi sle, %gather3A, %add3A_158 : vector<16xi32>
    %convert_element_type3A_162 = arith.extui %le3A_161 : vector<16xi1> to vector<16xi32>
    %add3A_163 = arith.addi %broadcast_in_dim3A_160, %convert_element_type3A_162 : vector<16xi32>
    %le3A_164 = arith.cmpi sle, %gather3A_6, %add3A_158 : vector<16xi32>
    %convert_element_type3A_165 = arith.extui %le3A_164 : vector<16xi1> to vector<16xi32>
    %add3A_166 = arith.addi %add3A_163, %convert_element_type3A_165 : vector<16xi32>
    %le3A_167 = arith.cmpi sle, %gather3A_9, %add3A_158 : vector<16xi32>
    %convert_element_type3A_168 = arith.extui %le3A_167 : vector<16xi1> to vector<16xi32>
    %add3A_169 = arith.addi %add3A_166, %convert_element_type3A_168 : vector<16xi32>
    %le3A_170 = arith.cmpi sle, %gather3A_12, %add3A_158 : vector<16xi32>
    %convert_element_type3A_171 = arith.extui %le3A_170 : vector<16xi1> to vector<16xi32>
    %add3A_172 = arith.addi %add3A_169, %convert_element_type3A_171 : vector<16xi32>
    %le3A_173 = arith.cmpi sle, %gather3A_15, %add3A_158 : vector<16xi32>
    %convert_element_type3A_174 = arith.extui %le3A_173 : vector<16xi1> to vector<16xi32>
    %add3A_175 = arith.addi %add3A_172, %convert_element_type3A_174 : vector<16xi32>
    %le3A_176 = arith.cmpi sle, %gather3A_18, %add3A_158 : vector<16xi32>
    %convert_element_type3A_177 = arith.extui %le3A_176 : vector<16xi1> to vector<16xi32>
    %add3A_178 = arith.addi %add3A_175, %convert_element_type3A_177 : vector<16xi32>
    %le3A_179 = arith.cmpi sle, %gather3A_21, %add3A_158 : vector<16xi32>
    %convert_element_type3A_180 = arith.extui %le3A_179 : vector<16xi1> to vector<16xi32>
    %add3A_181 = arith.addi %add3A_178, %convert_element_type3A_180 : vector<16xi32>
    %le3A_182 = arith.cmpi sle, %gather3A_24, %add3A_158 : vector<16xi32>
    %convert_element_type3A_183 = arith.extui %le3A_182 : vector<16xi1> to vector<16xi32>
    %add3A_184 = arith.addi %add3A_181, %convert_element_type3A_183 : vector<16xi32>
    %gather3A_185 = tpu.vector_load_idx %arg5[%add3A_184] : memref<16xi32, #tpu.memory_space<vmem>>[vector<16xi32>], vector<16xi32>,
    %mul3A_186 = arith.constant 2048 : i32
    %mul3A_187 = vector.broadcast %mul3A_186 : i32 to vector<16xi32>
    %mul3A_188 = arith.muli %add3A_184, %mul3A_187 : vector<16xi32>
    %sub3A_189 = arith.subi %add3A_158, %gather3A_185 : vector<16xi32>
    %add3A_190 = arith.addi %mul3A_188, %sub3A_189 : vector<16xi32>
    %swap3A_191 = arith.constant 1 : i32
    %swap3A_192 = arith.index_cast %swap3A_191 : i32 to index
    %swap3A_193 = arith.constant 16 : index
    %swap3A_194 = tpu.vector_load %arg6[%swap3A_192, %swap3A_193] {strides = array<i32>} : memref<8x32xi32, #tpu.memory_space<vmem>>, vector<16xi32>,
    tpu.vector_store %arg6[%swap3A_192, %swap3A_193], %add3A_190 {strides = array<i32>} : memref<8x32xi32, #tpu.memory_space<vmem>>, vector<16xi32>,
    %dma_start3A_195 = arith.constant 1 : i32
    %dma_start3A_196 = arith.constant 1 : i32
    %dma_start3A_197 = arith.constant 0 : i32
    %dma_start3A_198 = arith.constant 0 : i32
    %dma_start3A_199 = tpu.memref_slice %arg7[%dma_start3A_196, %dma_start3A_197, %dma_start3A_198] : memref<4x32x512xf32, #tpu.memory_space<vmem>> -> memref<1x32x512xf32, #tpu.memory_space<vmem>>
    %dma_start3A_200 = tpu.memref_squeeze %dma_start3A_199 : memref<1x32x512xf32, #tpu.memory_space<vmem>> -> memref<32x512xf32, #tpu.memory_space<vmem>>
    %dma_start3A_201 = arith.constant 0 : i32
    %dma_start3A_202 = tpu.memref_slice %arg6[%dma_start3A_195, %dma_start3A_201] : memref<8x32xi32, #tpu.memory_space<vmem>> -> memref<1x32xi32, #tpu.memory_space<vmem>>
    %dma_start3A_203 = tpu.memref_squeeze %dma_start3A_202 : memref<1x32xi32, #tpu.memory_space<vmem>> -> memref<32xi32, #tpu.memory_space<vmem>>
    %dma_start3A_204 = arith.constant 0 : i32
    %dma_start3A_205 = arith.constant 0 : i32
    %dma_start3A_206 = tpu.memref_slice %arg2[%dma_start3A_204, %dma_start3A_205] : memref<16384x512xf32, #tpu.memory_space<hbm>> -> memref<16384x512xf32, #tpu.memory_space<hbm>>
    tpu.enqueue_indirect_dma source(%dma_start3A_206 : memref<16384x512xf32, #tpu.memory_space<hbm>>) target(%dma_start3A_200 : memref<32x512xf32, #tpu.memory_space<vmem>>) offsets(%dma_start3A_203 : memref<32xi32, #tpu.memory_space<vmem>>) semaphore(%arg9 : memref<!tpu.dma_semaphore, #tpu.memory_space<semaphore_mem>>)
    %add3A_207 = arith.constant 64 : i32
    %add3A_208 = arith.addi %mul3A_2, %add3A_207 : i32
    %iota3A_209 = tpu.iota {dimensions = array<i32: 0>} : vector<16xi32>
    %add3A_210 = vector.broadcast %add3A_208 : i32 to vector<16xi32>
    %add3A_211 = arith.addi %add3A_210, %iota3A_209 : vector<16xi32>
    %broadcast_in_dim3A_212 = arith.constant 0 : i32
    %broadcast_in_dim3A_213 = vector.broadcast %broadcast_in_dim3A_212 : i32 to vector<16xi32>
    %le3A_214 = arith.cmpi sle, %gather3A, %add3A_211 : vector<16xi32>
    %convert_element_type3A_215 = arith.extui %le3A_214 : vector<16xi1> to vector<16xi32>
    %add3A_216 = arith.addi %broadcast_in_dim3A_213, %convert_element_type3A_215 : vector<16xi32>
    %le3A_217 = arith.cmpi sle, %gather3A_6, %add3A_211 : vector<16xi32>
    %convert_element_type3A_218 = arith.extui %le3A_217 : vector<16xi1> to vector<16xi32>
    %add3A_219 = arith.addi %add3A_216, %convert_element_type3A_218 : vector<16xi32>
    %le3A_220 = arith.cmpi sle, %gather3A_9, %add3A_211 : vector<16xi32>
    %convert_element_type3A_221 = arith.extui %le3A_220 : vector<16xi1> to vector<16xi32>
    %add3A_222 = arith.addi %add3A_219, %convert_element_type3A_221 : vector<16xi32>
    %le3A_223 = arith.cmpi sle, %gather3A_12, %add3A_211 : vector<16xi32>
    %convert_element_type3A_224 = arith.extui %le3A_223 : vector<16xi1> to vector<16xi32>
    %add3A_225 = arith.addi %add3A_222, %convert_element_type3A_224 : vector<16xi32>
    %le3A_226 = arith.cmpi sle, %gather3A_15, %add3A_211 : vector<16xi32>
    %convert_element_type3A_227 = arith.extui %le3A_226 : vector<16xi1> to vector<16xi32>
    %add3A_228 = arith.addi %add3A_225, %convert_element_type3A_227 : vector<16xi32>
    %le3A_229 = arith.cmpi sle, %gather3A_18, %add3A_211 : vector<16xi32>
    %convert_element_type3A_230 = arith.extui %le3A_229 : vector<16xi1> to vector<16xi32>
    %add3A_231 = arith.addi %add3A_228, %convert_element_type3A_230 : vector<16xi32>
    %le3A_232 = arith.cmpi sle, %gather3A_21, %add3A_211 : vector<16xi32>
    %convert_element_type3A_233 = arith.extui %le3A_232 : vector<16xi1> to vector<16xi32>
    %add3A_234 = arith.addi %add3A_231, %convert_element_type3A_233 : vector<16xi32>
    %le3A_235 = arith.cmpi sle, %gather3A_24, %add3A_211 : vector<16xi32>
    %convert_element_type3A_236 = arith.extui %le3A_235 : vector<16xi1> to vector<16xi32>
    %add3A_237 = arith.addi %add3A_234, %convert_element_type3A_236 : vector<16xi32>
    %gather3A_238 = tpu.vector_load_idx %arg5[%add3A_237] : memref<16xi32, #tpu.memory_space<vmem>>[vector<16xi32>], vector<16xi32>,
    %mul3A_239 = arith.constant 2048 : i32
    %mul3A_240 = vector.broadcast %mul3A_239 : i32 to vector<16xi32>
    %mul3A_241 = arith.muli %add3A_237, %mul3A_240 : vector<16xi32>
    %sub3A_242 = arith.subi %add3A_211, %gather3A_238 : vector<16xi32>
    %add3A_243 = arith.addi %mul3A_241, %sub3A_242 : vector<16xi32>
    %swap3A_244 = arith.constant 2 : i32
    %swap3A_245 = arith.index_cast %swap3A_244 : i32 to index
    %swap3A_246 = arith.constant 0 : index
    %swap3A_247 = tpu.vector_load %arg6[%swap3A_245, %swap3A_246] {strides = array<i32>} : memref<8x32xi32, #tpu.memory_space<vmem>>, vector<16xi32>,
    tpu.vector_store %arg6[%swap3A_245, %swap3A_246], %add3A_243 {strides = array<i32>} : memref<8x32xi32, #tpu.memory_space<vmem>>, vector<16xi32>,
    %add3A_248 = arith.constant 80 : i32
    %add3A_249 = arith.addi %mul3A_2, %add3A_248 : i32
    %iota3A_250 = tpu.iota {dimensions = array<i32: 0>} : vector<16xi32>
    %add3A_251 = vector.broadcast %add3A_249 : i32 to vector<16xi32>
    %add3A_252 = arith.addi %add3A_251, %iota3A_250 : vector<16xi32>
    %broadcast_in_dim3A_253 = arith.constant 0 : i32
    %broadcast_in_dim3A_254 = vector.broadcast %broadcast_in_dim3A_253 : i32 to vector<16xi32>
    %le3A_255 = arith.cmpi sle, %gather3A, %add3A_252 : vector<16xi32>
    %convert_element_type3A_256 = arith.extui %le3A_255 : vector<16xi1> to vector<16xi32>
    %add3A_257 = arith.addi %broadcast_in_dim3A_254, %convert_element_type3A_256 : vector<16xi32>
    %le3A_258 = arith.cmpi sle, %gather3A_6, %add3A_252 : vector<16xi32>
    %convert_element_type3A_259 = arith.extui %le3A_258 : vector<16xi1> to vector<16xi32>
    %add3A_260 = arith.addi %add3A_257, %convert_element_type3A_259 : vector<16xi32>
    %le3A_261 = arith.cmpi sle, %gather3A_9, %add3A_252 : vector<16xi32>
    %convert_element_type3A_262 = arith.extui %le3A_261 : vector<16xi1> to vector<16xi32>
    %add3A_263 = arith.addi %add3A_260, %convert_element_type3A_262 : vector<16xi32>
    %le3A_264 = arith.cmpi sle, %gather3A_12, %add3A_252 : vector<16xi32>
    %convert_element_type3A_265 = arith.extui %le3A_264 : vector<16xi1> to vector<16xi32>
    %add3A_266 = arith.addi %add3A_263, %convert_element_type3A_265 : vector<16xi32>
    %le3A_267 = arith.cmpi sle, %gather3A_15, %add3A_252 : vector<16xi32>
    %convert_element_type3A_268 = arith.extui %le3A_267 : vector<16xi1> to vector<16xi32>
    %add3A_269 = arith.addi %add3A_266, %convert_element_type3A_268 : vector<16xi32>
    %le3A_270 = arith.cmpi sle, %gather3A_18, %add3A_252 : vector<16xi32>
    %convert_element_type3A_271 = arith.extui %le3A_270 : vector<16xi1> to vector<16xi32>
    %add3A_272 = arith.addi %add3A_269, %convert_element_type3A_271 : vector<16xi32>
    %le3A_273 = arith.cmpi sle, %gather3A_21, %add3A_252 : vector<16xi32>
    %convert_element_type3A_274 = arith.extui %le3A_273 : vector<16xi1> to vector<16xi32>
    %add3A_275 = arith.addi %add3A_272, %convert_element_type3A_274 : vector<16xi32>
    %le3A_276 = arith.cmpi sle, %gather3A_24, %add3A_252 : vector<16xi32>
    %convert_element_type3A_277 = arith.extui %le3A_276 : vector<16xi1> to vector<16xi32>
    %add3A_278 = arith.addi %add3A_275, %convert_element_type3A_277 : vector<16xi32>
    %gather3A_279 = tpu.vector_load_idx %arg5[%add3A_278] : memref<16xi32, #tpu.memory_space<vmem>>[vector<16xi32>], vector<16xi32>,
    %mul3A_280 = arith.constant 2048 : i32
    %mul3A_281 = vector.broadcast %mul3A_280 : i32 to vector<16xi32>
    %mul3A_282 = arith.muli %add3A_278, %mul3A_281 : vector<16xi32>
    %sub3A_283 = arith.subi %add3A_252, %gather3A_279 : vector<16xi32>
    %add3A_284 = arith.addi %mul3A_282, %sub3A_283 : vector<16xi32>
    %swap3A_285 = arith.constant 2 : i32
    %swap3A_286 = arith.index_cast %swap3A_285 : i32 to index
    %swap3A_287 = arith.constant 16 : index
    %swap3A_288 = tpu.vector_load %arg6[%swap3A_286, %swap3A_287] {strides = array<i32>} : memref<8x32xi32, #tpu.memory_space<vmem>>, vector<16xi32>,
    tpu.vector_store %arg6[%swap3A_286, %swap3A_287], %add3A_284 {strides = array<i32>} : memref<8x32xi32, #tpu.memory_space<vmem>>, vector<16xi32>,
    %dma_start3A_289 = arith.constant 2 : i32
    %dma_start3A_290 = arith.constant 2 : i32
    %dma_start3A_291 = arith.constant 0 : i32
    %dma_start3A_292 = arith.constant 0 : i32
    %dma_start3A_293 = tpu.memref_slice %arg7[%dma_start3A_290, %dma_start3A_291, %dma_start3A_292] : memref<4x32x512xf32, #tpu.memory_space<vmem>> -> memref<1x32x512xf32, #tpu.memory_space<vmem>>
    %dma_start3A_294 = tpu.memref_squeeze %dma_start3A_293 : memref<1x32x512xf32, #tpu.memory_space<vmem>> -> memref<32x512xf32, #tpu.memory_space<vmem>>
    %dma_start3A_295 = arith.constant 0 : i32
    %dma_start3A_296 = tpu.memref_slice %arg6[%dma_start3A_289, %dma_start3A_295] : memref<8x32xi32, #tpu.memory_space<vmem>> -> memref<1x32xi32, #tpu.memory_space<vmem>>
    %dma_start3A_297 = tpu.memref_squeeze %dma_start3A_296 : memref<1x32xi32, #tpu.memory_space<vmem>> -> memref<32xi32, #tpu.memory_space<vmem>>
    %dma_start3A_298 = arith.constant 0 : i32
    %dma_start3A_299 = arith.constant 0 : i32
    %dma_start3A_300 = tpu.memref_slice %arg2[%dma_start3A_298, %dma_start3A_299] : memref<16384x512xf32, #tpu.memory_space<hbm>> -> memref<16384x512xf32, #tpu.memory_space<hbm>>
    tpu.enqueue_indirect_dma source(%dma_start3A_300 : memref<16384x512xf32, #tpu.memory_space<hbm>>) target(%dma_start3A_294 : memref<32x512xf32, #tpu.memory_space<vmem>>) offsets(%dma_start3A_297 : memref<32xi32, #tpu.memory_space<vmem>>) semaphore(%arg10 : memref<!tpu.dma_semaphore, #tpu.memory_space<semaphore_mem>>)
    %add3A_301 = arith.constant 96 : i32
    %add3A_302 = arith.addi %mul3A_2, %add3A_301 : i32
    %iota3A_303 = tpu.iota {dimensions = array<i32: 0>} : vector<16xi32>
    %add3A_304 = vector.broadcast %add3A_302 : i32 to vector<16xi32>
    %add3A_305 = arith.addi %add3A_304, %iota3A_303 : vector<16xi32>
    %broadcast_in_dim3A_306 = arith.constant 0 : i32
    %broadcast_in_dim3A_307 = vector.broadcast %broadcast_in_dim3A_306 : i32 to vector<16xi32>
    %le3A_308 = arith.cmpi sle, %gather3A, %add3A_305 : vector<16xi32>
    %convert_element_type3A_309 = arith.extui %le3A_308 : vector<16xi1> to vector<16xi32>
    %add3A_310 = arith.addi %broadcast_in_dim3A_307, %convert_element_type3A_309 : vector<16xi32>
    %le3A_311 = arith.cmpi sle, %gather3A_6, %add3A_305 : vector<16xi32>
    %convert_element_type3A_312 = arith.extui %le3A_311 : vector<16xi1> to vector<16xi32>
    %add3A_313 = arith.addi %add3A_310, %convert_element_type3A_312 : vector<16xi32>
    %le3A_314 = arith.cmpi sle, %gather3A_9, %add3A_305 : vector<16xi32>
    %convert_element_type3A_315 = arith.extui %le3A_314 : vector<16xi1> to vector<16xi32>
    %add3A_316 = arith.addi %add3A_313, %convert_element_type3A_315 : vector<16xi32>
    %le3A_317 = arith.cmpi sle, %gather3A_12, %add3A_305 : vector<16xi32>
    %convert_element_type3A_318 = arith.extui %le3A_317 : vector<16xi1> to vector<16xi32>
    %add3A_319 = arith.addi %add3A_316, %convert_element_type3A_318 : vector<16xi32>
    %le3A_320 = arith.cmpi sle, %gather3A_15, %add3A_305 : vector<16xi32>
    %convert_element_type3A_321 = arith.extui %le3A_320 : vector<16xi1> to vector<16xi32>
    %add3A_322 = arith.addi %add3A_319, %convert_element_type3A_321 : vector<16xi32>
    %le3A_323 = arith.cmpi sle, %gather3A_18, %add3A_305 : vector<16xi32>
    %convert_element_type3A_324 = arith.extui %le3A_323 : vector<16xi1> to vector<16xi32>
    %add3A_325 = arith.addi %add3A_322, %convert_element_type3A_324 : vector<16xi32>
    %le3A_326 = arith.cmpi sle, %gather3A_21, %add3A_305 : vector<16xi32>
    %convert_element_type3A_327 = arith.extui %le3A_326 : vector<16xi1> to vector<16xi32>
    %add3A_328 = arith.addi %add3A_325, %convert_element_type3A_327 : vector<16xi32>
    %le3A_329 = arith.cmpi sle, %gather3A_24, %add3A_305 : vector<16xi32>
    %convert_element_type3A_330 = arith.extui %le3A_329 : vector<16xi1> to vector<16xi32>
    %add3A_331 = arith.addi %add3A_328, %convert_element_type3A_330 : vector<16xi32>
    %gather3A_332 = tpu.vector_load_idx %arg5[%add3A_331] : memref<16xi32, #tpu.memory_space<vmem>>[vector<16xi32>], vector<16xi32>,
    %mul3A_333 = arith.constant 2048 : i32
    %mul3A_334 = vector.broadcast %mul3A_333 : i32 to vector<16xi32>
    %mul3A_335 = arith.muli %add3A_331, %mul3A_334 : vector<16xi32>
    %sub3A_336 = arith.subi %add3A_305, %gather3A_332 : vector<16xi32>
    %add3A_337 = arith.addi %mul3A_335, %sub3A_336 : vector<16xi32>
    %swap3A_338 = arith.constant 3 : i32
    %swap3A_339 = arith.index_cast %swap3A_338 : i32 to index
    %swap3A_340 = arith.constant 0 : index
    %swap3A_341 = tpu.vector_load %arg6[%swap3A_339, %swap3A_340] {strides = array<i32>} : memref<8x32xi32, #tpu.memory_space<vmem>>, vector<16xi32>,
    tpu.vector_store %arg6[%swap3A_339, %swap3A_340], %add3A_337 {strides = array<i32>} : memref<8x32xi32, #tpu.memory_space<vmem>>, vector<16xi32>,
    %add3A_342 = arith.constant 112 : i32
    %add3A_343 = arith.addi %mul3A_2, %add3A_342 : i32
    %iota3A_344 = tpu.iota {dimensions = array<i32: 0>} : vector<16xi32>
    %add3A_345 = vector.broadcast %add3A_343 : i32 to vector<16xi32>
    %add3A_346 = arith.addi %add3A_345, %iota3A_344 : vector<16xi32>
    %broadcast_in_dim3A_347 = arith.constant 0 : i32
    %broadcast_in_dim3A_348 = vector.broadcast %broadcast_in_dim3A_347 : i32 to vector<16xi32>
    %le3A_349 = arith.cmpi sle, %gather3A, %add3A_346 : vector<16xi32>
    %convert_element_type3A_350 = arith.extui %le3A_349 : vector<16xi1> to vector<16xi32>
    %add3A_351 = arith.addi %broadcast_in_dim3A_348, %convert_element_type3A_350 : vector<16xi32>
    %le3A_352 = arith.cmpi sle, %gather3A_6, %add3A_346 : vector<16xi32>
    %convert_element_type3A_353 = arith.extui %le3A_352 : vector<16xi1> to vector<16xi32>
    %add3A_354 = arith.addi %add3A_351, %convert_element_type3A_353 : vector<16xi32>
    %le3A_355 = arith.cmpi sle, %gather3A_9, %add3A_346 : vector<16xi32>
    %convert_element_type3A_356 = arith.extui %le3A_355 : vector<16xi1> to vector<16xi32>
    %add3A_357 = arith.addi %add3A_354, %convert_element_type3A_356 : vector<16xi32>
    %le3A_358 = arith.cmpi sle, %gather3A_12, %add3A_346 : vector<16xi32>
    %convert_element_type3A_359 = arith.extui %le3A_358 : vector<16xi1> to vector<16xi32>
    %add3A_360 = arith.addi %add3A_357, %convert_element_type3A_359 : vector<16xi32>
    %le3A_361 = arith.cmpi sle, %gather3A_15, %add3A_346 : vector<16xi32>
    %convert_element_type3A_362 = arith.extui %le3A_361 : vector<16xi1> to vector<16xi32>
    %add3A_363 = arith.addi %add3A_360, %convert_element_type3A_362 : vector<16xi32>
    %le3A_364 = arith.cmpi sle, %gather3A_18, %add3A_346 : vector<16xi32>
    %convert_element_type3A_365 = arith.extui %le3A_364 : vector<16xi1> to vector<16xi32>
    %add3A_366 = arith.addi %add3A_363, %convert_element_type3A_365 : vector<16xi32>
    %le3A_367 = arith.cmpi sle, %gather3A_21, %add3A_346 : vector<16xi32>
    %convert_element_type3A_368 = arith.extui %le3A_367 : vector<16xi1> to vector<16xi32>
    %add3A_369 = arith.addi %add3A_366, %convert_element_type3A_368 : vector<16xi32>
    %le3A_370 = arith.cmpi sle, %gather3A_24, %add3A_346 : vector<16xi32>
    %convert_element_type3A_371 = arith.extui %le3A_370 : vector<16xi1> to vector<16xi32>
    %add3A_372 = arith.addi %add3A_369, %convert_element_type3A_371 : vector<16xi32>
    %gather3A_373 = tpu.vector_load_idx %arg5[%add3A_372] : memref<16xi32, #tpu.memory_space<vmem>>[vector<16xi32>], vector<16xi32>,
    %mul3A_374 = arith.constant 2048 : i32
    %mul3A_375 = vector.broadcast %mul3A_374 : i32 to vector<16xi32>
    %mul3A_376 = arith.muli %add3A_372, %mul3A_375 : vector<16xi32>
    %sub3A_377 = arith.subi %add3A_346, %gather3A_373 : vector<16xi32>
    %add3A_378 = arith.addi %mul3A_376, %sub3A_377 : vector<16xi32>
    %swap3A_379 = arith.constant 3 : i32
    %swap3A_380 = arith.index_cast %swap3A_379 : i32 to index
    %swap3A_381 = arith.constant 16 : index
    %swap3A_382 = tpu.vector_load %arg6[%swap3A_380, %swap3A_381] {strides = array<i32>} : memref<8x32xi32, #tpu.memory_space<vmem>>, vector<16xi32>,
    tpu.vector_store %arg6[%swap3A_380, %swap3A_381], %add3A_378 {strides = array<i32>} : memref<8x32xi32, #tpu.memory_space<vmem>>, vector<16xi32>,
    %dma_start3A_383 = arith.constant 3 : i32
    %dma_start3A_384 = arith.constant 3 : i32
    %dma_start3A_385 = arith.constant 0 : i32
    %dma_start3A_386 = arith.constant 0 : i32
    %dma_start3A_387 = tpu.memref_slice %arg7[%dma_start3A_384, %dma_start3A_385, %dma_start3A_386] : memref<4x32x512xf32, #tpu.memory_space<vmem>> -> memref<1x32x512xf32, #tpu.memory_space<vmem>>
    %dma_start3A_388 = tpu.memref_squeeze %dma_start3A_387 : memref<1x32x512xf32, #tpu.memory_space<vmem>> -> memref<32x512xf32, #tpu.memory_space<vmem>>
    %dma_start3A_389 = arith.constant 0 : i32
    %dma_start3A_390 = tpu.memref_slice %arg6[%dma_start3A_383, %dma_start3A_389] : memref<8x32xi32, #tpu.memory_space<vmem>> -> memref<1x32xi32, #tpu.memory_space<vmem>>
    %dma_start3A_391 = tpu.memref_squeeze %dma_start3A_390 : memref<1x32xi32, #tpu.memory_space<vmem>> -> memref<32xi32, #tpu.memory_space<vmem>>
    %dma_start3A_392 = arith.constant 0 : i32
    %dma_start3A_393 = arith.constant 0 : i32
    %dma_start3A_394 = tpu.memref_slice %arg2[%dma_start3A_392, %dma_start3A_393] : memref<16384x512xf32, #tpu.memory_space<hbm>> -> memref<16384x512xf32, #tpu.memory_space<hbm>>
    tpu.enqueue_indirect_dma source(%dma_start3A_394 : memref<16384x512xf32, #tpu.memory_space<hbm>>) target(%dma_start3A_388 : memref<32x512xf32, #tpu.memory_space<vmem>>) offsets(%dma_start3A_391 : memref<32xi32, #tpu.memory_space<vmem>>) semaphore(%arg11 : memref<!tpu.dma_semaphore, #tpu.memory_space<semaphore_mem>>)
    %add3A_395 = arith.constant 128 : i32
    %add3A_396 = arith.addi %mul3A_2, %add3A_395 : i32
    %iota3A_397 = tpu.iota {dimensions = array<i32: 0>} : vector<16xi32>
    %add3A_398 = vector.broadcast %add3A_396 : i32 to vector<16xi32>
    %add3A_399 = arith.addi %add3A_398, %iota3A_397 : vector<16xi32>
    %broadcast_in_dim3A_400 = arith.constant 0 : i32
    %broadcast_in_dim3A_401 = vector.broadcast %broadcast_in_dim3A_400 : i32 to vector<16xi32>
    %le3A_402 = arith.cmpi sle, %gather3A, %add3A_399 : vector<16xi32>
    %convert_element_type3A_403 = arith.extui %le3A_402 : vector<16xi1> to vector<16xi32>
    %add3A_404 = arith.addi %broadcast_in_dim3A_401, %convert_element_type3A_403 : vector<16xi32>
    %le3A_405 = arith.cmpi sle, %gather3A_6, %add3A_399 : vector<16xi32>
    %convert_element_type3A_406 = arith.extui %le3A_405 : vector<16xi1> to vector<16xi32>
    %add3A_407 = arith.addi %add3A_404, %convert_element_type3A_406 : vector<16xi32>
    %le3A_408 = arith.cmpi sle, %gather3A_9, %add3A_399 : vector<16xi32>
    %convert_element_type3A_409 = arith.extui %le3A_408 : vector<16xi1> to vector<16xi32>
    %add3A_410 = arith.addi %add3A_407, %convert_element_type3A_409 : vector<16xi32>
    %le3A_411 = arith.cmpi sle, %gather3A_12, %add3A_399 : vector<16xi32>
    %convert_element_type3A_412 = arith.extui %le3A_411 : vector<16xi1> to vector<16xi32>
    %add3A_413 = arith.addi %add3A_410, %convert_element_type3A_412 : vector<16xi32>
    %le3A_414 = arith.cmpi sle, %gather3A_15, %add3A_399 : vector<16xi32>
    %convert_element_type3A_415 = arith.extui %le3A_414 : vector<16xi1> to vector<16xi32>
    %add3A_416 = arith.addi %add3A_413, %convert_element_type3A_415 : vector<16xi32>
    %le3A_417 = arith.cmpi sle, %gather3A_18, %add3A_399 : vector<16xi32>
    %convert_element_type3A_418 = arith.extui %le3A_417 : vector<16xi1> to vector<16xi32>
    %add3A_419 = arith.addi %add3A_416, %convert_element_type3A_418 : vector<16xi32>
    %le3A_420 = arith.cmpi sle, %gather3A_21, %add3A_399 : vector<16xi32>
    %convert_element_type3A_421 = arith.extui %le3A_420 : vector<16xi1> to vector<16xi32>
    %add3A_422 = arith.addi %add3A_419, %convert_element_type3A_421 : vector<16xi32>
    %le3A_423 = arith.cmpi sle, %gather3A_24, %add3A_399 : vector<16xi32>
    %convert_element_type3A_424 = arith.extui %le3A_423 : vector<16xi1> to vector<16xi32>
    %add3A_425 = arith.addi %add3A_422, %convert_element_type3A_424 : vector<16xi32>
    %gather3A_426 = tpu.vector_load_idx %arg5[%add3A_425] : memref<16xi32, #tpu.memory_space<vmem>>[vector<16xi32>], vector<16xi32>,
    %mul3A_427 = arith.constant 2048 : i32
    %mul3A_428 = vector.broadcast %mul3A_427 : i32 to vector<16xi32>
    %mul3A_429 = arith.muli %add3A_425, %mul3A_428 : vector<16xi32>
    %sub3A_430 = arith.subi %add3A_399, %gather3A_426 : vector<16xi32>
    %add3A_431 = arith.addi %mul3A_429, %sub3A_430 : vector<16xi32>
    %swap3A_432 = arith.constant 4 : i32
    %swap3A_433 = arith.index_cast %swap3A_432 : i32 to index
    %swap3A_434 = arith.constant 0 : index
    %swap3A_435 = tpu.vector_load %arg6[%swap3A_433, %swap3A_434] {strides = array<i32>} : memref<8x32xi32, #tpu.memory_space<vmem>>, vector<16xi32>,
    tpu.vector_store %arg6[%swap3A_433, %swap3A_434], %add3A_431 {strides = array<i32>} : memref<8x32xi32, #tpu.memory_space<vmem>>, vector<16xi32>,
    %add3A_436 = arith.constant 144 : i32
    %add3A_437 = arith.addi %mul3A_2, %add3A_436 : i32
    %iota3A_438 = tpu.iota {dimensions = array<i32: 0>} : vector<16xi32>
    %add3A_439 = vector.broadcast %add3A_437 : i32 to vector<16xi32>
    %add3A_440 = arith.addi %add3A_439, %iota3A_438 : vector<16xi32>
    %broadcast_in_dim3A_441 = arith.constant 0 : i32
    %broadcast_in_dim3A_442 = vector.broadcast %broadcast_in_dim3A_441 : i32 to vector<16xi32>
    %le3A_443 = arith.cmpi sle, %gather3A, %add3A_440 : vector<16xi32>
    %convert_element_type3A_444 = arith.extui %le3A_443 : vector<16xi1> to vector<16xi32>
    %add3A_445 = arith.addi %broadcast_in_dim3A_442, %convert_element_type3A_444 : vector<16xi32>
    %le3A_446 = arith.cmpi sle, %gather3A_6, %add3A_440 : vector<16xi32>
    %convert_element_type3A_447 = arith.extui %le3A_446 : vector<16xi1> to vector<16xi32>
    %add3A_448 = arith.addi %add3A_445, %convert_element_type3A_447 : vector<16xi32>
    %le3A_449 = arith.cmpi sle, %gather3A_9, %add3A_440 : vector<16xi32>
    %convert_element_type3A_450 = arith.extui %le3A_449 : vector<16xi1> to vector<16xi32>
    %add3A_451 = arith.addi %add3A_448, %convert_element_type3A_450 : vector<16xi32>
    %le3A_452 = arith.cmpi sle, %gather3A_12, %add3A_440 : vector<16xi32>
    %convert_element_type3A_453 = arith.extui %le3A_452 : vector<16xi1> to vector<16xi32>
    %add3A_454 = arith.addi %add3A_451, %convert_element_type3A_453 : vector<16xi32>
    %le3A_455 = arith.cmpi sle, %gather3A_15, %add3A_440 : vector<16xi32>
    %convert_element_type3A_456 = arith.extui %le3A_455 : vector<16xi1> to vector<16xi32>
    %add3A_457 = arith.addi %add3A_454, %convert_element_type3A_456 : vector<16xi32>
    %le3A_458 = arith.cmpi sle, %gather3A_18, %add3A_440 : vector<16xi32>
    %convert_element_type3A_459 = arith.extui %le3A_458 : vector<16xi1> to vector<16xi32>
    %add3A_460 = arith.addi %add3A_457, %convert_element_type3A_459 : vector<16xi32>
    %le3A_461 = arith.cmpi sle, %gather3A_21, %add3A_440 : vector<16xi32>
    %convert_element_type3A_462 = arith.extui %le3A_461 : vector<16xi1> to vector<16xi32>
    %add3A_463 = arith.addi %add3A_460, %convert_element_type3A_462 : vector<16xi32>
    %le3A_464 = arith.cmpi sle, %gather3A_24, %add3A_440 : vector<16xi32>
    %convert_element_type3A_465 = arith.extui %le3A_464 : vector<16xi1> to vector<16xi32>
    %add3A_466 = arith.addi %add3A_463, %convert_element_type3A_465 : vector<16xi32>
    %gather3A_467 = tpu.vector_load_idx %arg5[%add3A_466] : memref<16xi32, #tpu.memory_space<vmem>>[vector<16xi32>], vector<16xi32>,
    %mul3A_468 = arith.constant 2048 : i32
    %mul3A_469 = vector.broadcast %mul3A_468 : i32 to vector<16xi32>
    %mul3A_470 = arith.muli %add3A_466, %mul3A_469 : vector<16xi32>
    %sub3A_471 = arith.subi %add3A_440, %gather3A_467 : vector<16xi32>
    %add3A_472 = arith.addi %mul3A_470, %sub3A_471 : vector<16xi32>
    %swap3A_473 = arith.constant 4 : i32
    %swap3A_474 = arith.index_cast %swap3A_473 : i32 to index
    %swap3A_475 = arith.constant 16 : index
    %swap3A_476 = tpu.vector_load %arg6[%swap3A_474, %swap3A_475] {strides = array<i32>} : memref<8x32xi32, #tpu.memory_space<vmem>>, vector<16xi32>,
    tpu.vector_store %arg6[%swap3A_474, %swap3A_475], %add3A_472 {strides = array<i32>} : memref<8x32xi32, #tpu.memory_space<vmem>>, vector<16xi32>,
    %add3A_477 = arith.constant 160 : i32
    %add3A_478 = arith.addi %mul3A_2, %add3A_477 : i32
    %iota3A_479 = tpu.iota {dimensions = array<i32: 0>} : vector<16xi32>
    %add3A_480 = vector.broadcast %add3A_478 : i32 to vector<16xi32>
    %add3A_481 = arith.addi %add3A_480, %iota3A_479 : vector<16xi32>
    %broadcast_in_dim3A_482 = arith.constant 0 : i32
    %broadcast_in_dim3A_483 = vector.broadcast %broadcast_in_dim3A_482 : i32 to vector<16xi32>
    %le3A_484 = arith.cmpi sle, %gather3A, %add3A_481 : vector<16xi32>
    %convert_element_type3A_485 = arith.extui %le3A_484 : vector<16xi1> to vector<16xi32>
    %add3A_486 = arith.addi %broadcast_in_dim3A_483, %convert_element_type3A_485 : vector<16xi32>
    %le3A_487 = arith.cmpi sle, %gather3A_6, %add3A_481 : vector<16xi32>
    %convert_element_type3A_488 = arith.extui %le3A_487 : vector<16xi1> to vector<16xi32>
    %add3A_489 = arith.addi %add3A_486, %convert_element_type3A_488 : vector<16xi32>
    %le3A_490 = arith.cmpi sle, %gather3A_9, %add3A_481 : vector<16xi32>
    %convert_element_type3A_491 = arith.extui %le3A_490 : vector<16xi1> to vector<16xi32>
    %add3A_492 = arith.addi %add3A_489, %convert_element_type3A_491 : vector<16xi32>
    %le3A_493 = arith.cmpi sle, %gather3A_12, %add3A_481 : vector<16xi32>
    %convert_element_type3A_494 = arith.extui %le3A_493 : vector<16xi1> to vector<16xi32>
    %add3A_495 = arith.addi %add3A_492, %convert_element_type3A_494 : vector<16xi32>
    %le3A_496 = arith.cmpi sle, %gather3A_15, %add3A_481 : vector<16xi32>
    %convert_element_type3A_497 = arith.extui %le3A_496 : vector<16xi1> to vector<16xi32>
    %add3A_498 = arith.addi %add3A_495, %convert_element_type3A_497 : vector<16xi32>
    %le3A_499 = arith.cmpi sle, %gather3A_18, %add3A_481 : vector<16xi32>
    %convert_element_type3A_500 = arith.extui %le3A_499 : vector<16xi1> to vector<16xi32>
    %add3A_501 = arith.addi %add3A_498, %convert_element_type3A_500 : vector<16xi32>
    %le3A_502 = arith.cmpi sle, %gather3A_21, %add3A_481 : vector<16xi32>
    %convert_element_type3A_503 = arith.extui %le3A_502 : vector<16xi1> to vector<16xi32>
    %add3A_504 = arith.addi %add3A_501, %convert_element_type3A_503 : vector<16xi32>
    %le3A_505 = arith.cmpi sle, %gather3A_24, %add3A_481 : vector<16xi32>
    %convert_element_type3A_506 = arith.extui %le3A_505 : vector<16xi1> to vector<16xi32>
    %add3A_507 = arith.addi %add3A_504, %convert_element_type3A_506 : vector<16xi32>
    %gather3A_508 = tpu.vector_load_idx %arg5[%add3A_507] : memref<16xi32, #tpu.memory_space<vmem>>[vector<16xi32>], vector<16xi32>,
    %mul3A_509 = arith.constant 2048 : i32
    %mul3A_510 = vector.broadcast %mul3A_509 : i32 to vector<16xi32>
    %mul3A_511 = arith.muli %add3A_507, %mul3A_510 : vector<16xi32>
    %sub3A_512 = arith.subi %add3A_481, %gather3A_508 : vector<16xi32>
    %add3A_513 = arith.addi %mul3A_511, %sub3A_512 : vector<16xi32>
    %swap3A_514 = arith.constant 5 : i32
    %swap3A_515 = arith.index_cast %swap3A_514 : i32 to index
    %swap3A_516 = arith.constant 0 : index
    %swap3A_517 = tpu.vector_load %arg6[%swap3A_515, %swap3A_516] {strides = array<i32>} : memref<8x32xi32, #tpu.memory_space<vmem>>, vector<16xi32>,
    tpu.vector_store %arg6[%swap3A_515, %swap3A_516], %add3A_513 {strides = array<i32>} : memref<8x32xi32, #tpu.memory_space<vmem>>, vector<16xi32>,
    %add3A_518 = arith.constant 176 : i32
    %add3A_519 = arith.addi %mul3A_2, %add3A_518 : i32
    %iota3A_520 = tpu.iota {dimensions = array<i32: 0>} : vector<16xi32>
    %add3A_521 = vector.broadcast %add3A_519 : i32 to vector<16xi32>
    %add3A_522 = arith.addi %add3A_521, %iota3A_520 : vector<16xi32>
    %broadcast_in_dim3A_523 = arith.constant 0 : i32
    %broadcast_in_dim3A_524 = vector.broadcast %broadcast_in_dim3A_523 : i32 to vector<16xi32>
    %le3A_525 = arith.cmpi sle, %gather3A, %add3A_522 : vector<16xi32>
    %convert_element_type3A_526 = arith.extui %le3A_525 : vector<16xi1> to vector<16xi32>
    %add3A_527 = arith.addi %broadcast_in_dim3A_524, %convert_element_type3A_526 : vector<16xi32>
    %le3A_528 = arith.cmpi sle, %gather3A_6, %add3A_522 : vector<16xi32>
    %convert_element_type3A_529 = arith.extui %le3A_528 : vector<16xi1> to vector<16xi32>
    %add3A_530 = arith.addi %add3A_527, %convert_element_type3A_529 : vector<16xi32>
    %le3A_531 = arith.cmpi sle, %gather3A_9, %add3A_522 : vector<16xi32>
    %convert_element_type3A_532 = arith.extui %le3A_531 : vector<16xi1> to vector<16xi32>
    %add3A_533 = arith.addi %add3A_530, %convert_element_type3A_532 : vector<16xi32>
    %le3A_534 = arith.cmpi sle, %gather3A_12, %add3A_522 : vector<16xi32>
    %convert_element_type3A_535 = arith.extui %le3A_534 : vector<16xi1> to vector<16xi32>
    %add3A_536 = arith.addi %add3A_533, %convert_element_type3A_535 : vector<16xi32>
    %le3A_537 = arith.cmpi sle, %gather3A_15, %add3A_522 : vector<16xi32>
    %convert_element_type3A_538 = arith.extui %le3A_537 : vector<16xi1> to vector<16xi32>
    %add3A_539 = arith.addi %add3A_536, %convert_element_type3A_538 : vector<16xi32>
    %le3A_540 = arith.cmpi sle, %gather3A_18, %add3A_522 : vector<16xi32>
    %convert_element_type3A_541 = arith.extui %le3A_540 : vector<16xi1> to vector<16xi32>
    %add3A_542 = arith.addi %add3A_539, %convert_element_type3A_541 : vector<16xi32>
    %le3A_543 = arith.cmpi sle, %gather3A_21, %add3A_522 : vector<16xi32>
    %convert_element_type3A_544 = arith.extui %le3A_543 : vector<16xi1> to vector<16xi32>
    %add3A_545 = arith.addi %add3A_542, %convert_element_type3A_544 : vector<16xi32>
    %le3A_546 = arith.cmpi sle, %gather3A_24, %add3A_522 : vector<16xi32>
    %convert_element_type3A_547 = arith.extui %le3A_546 : vector<16xi1> to vector<16xi32>
    %add3A_548 = arith.addi %add3A_545, %convert_element_type3A_547 : vector<16xi32>
    %gather3A_549 = tpu.vector_load_idx %arg5[%add3A_548] : memref<16xi32, #tpu.memory_space<vmem>>[vector<16xi32>], vector<16xi32>,
    %mul3A_550 = arith.constant 2048 : i32
    %mul3A_551 = vector.broadcast %mul3A_550 : i32 to vector<16xi32>
    %mul3A_552 = arith.muli %add3A_548, %mul3A_551 : vector<16xi32>
    %sub3A_553 = arith.subi %add3A_522, %gather3A_549 : vector<16xi32>
    %add3A_554 = arith.addi %mul3A_552, %sub3A_553 : vector<16xi32>
    %swap3A_555 = arith.constant 5 : i32
    %swap3A_556 = arith.index_cast %swap3A_555 : i32 to index
    %swap3A_557 = arith.constant 16 : index
    %swap3A_558 = tpu.vector_load %arg6[%swap3A_556, %swap3A_557] {strides = array<i32>} : memref<8x32xi32, #tpu.memory_space<vmem>>, vector<16xi32>,
    tpu.vector_store %arg6[%swap3A_556, %swap3A_557], %add3A_554 {strides = array<i32>} : memref<8x32xi32, #tpu.memory_space<vmem>>, vector<16xi32>,
    %add3A_559 = arith.constant 192 : i32
    %add3A_560 = arith.addi %mul3A_2, %add3A_559 : i32
    %iota3A_561 = tpu.iota {dimensions = array<i32: 0>} : vector<16xi32>
    %add3A_562 = vector.broadcast %add3A_560 : i32 to vector<16xi32>
    %add3A_563 = arith.addi %add3A_562, %iota3A_561 : vector<16xi32>
    %broadcast_in_dim3A_564 = arith.constant 0 : i32
    %broadcast_in_dim3A_565 = vector.broadcast %broadcast_in_dim3A_564 : i32 to vector<16xi32>
    %le3A_566 = arith.cmpi sle, %gather3A, %add3A_563 : vector<16xi32>
    %convert_element_type3A_567 = arith.extui %le3A_566 : vector<16xi1> to vector<16xi32>
    %add3A_568 = arith.addi %broadcast_in_dim3A_565, %convert_element_type3A_567 : vector<16xi32>
    %le3A_569 = arith.cmpi sle, %gather3A_6, %add3A_563 : vector<16xi32>
    %convert_element_type3A_570 = arith.extui %le3A_569 : vector<16xi1> to vector<16xi32>
    %add3A_571 = arith.addi %add3A_568, %convert_element_type3A_570 : vector<16xi32>
    %le3A_572 = arith.cmpi sle, %gather3A_9, %add3A_563 : vector<16xi32>
    %convert_element_type3A_573 = arith.extui %le3A_572 : vector<16xi1> to vector<16xi32>
    %add3A_574 = arith.addi %add3A_571, %convert_element_type3A_573 : vector<16xi32>
    %le3A_575 = arith.cmpi sle, %gather3A_12, %add3A_563 : vector<16xi32>
    %convert_element_type3A_576 = arith.extui %le3A_575 : vector<16xi1> to vector<16xi32>
    %add3A_577 = arith.addi %add3A_574, %convert_element_type3A_576 : vector<16xi32>
    %le3A_578 = arith.cmpi sle, %gather3A_15, %add3A_563 : vector<16xi32>
    %convert_element_type3A_579 = arith.extui %le3A_578 : vector<16xi1> to vector<16xi32>
    %add3A_580 = arith.addi %add3A_577, %convert_element_type3A_579 : vector<16xi32>
    %le3A_581 = arith.cmpi sle, %gather3A_18, %add3A_563 : vector<16xi32>
    %convert_element_type3A_582 = arith.extui %le3A_581 : vector<16xi1> to vector<16xi32>
    %add3A_583 = arith.addi %add3A_580, %convert_element_type3A_582 : vector<16xi32>
    %le3A_584 = arith.cmpi sle, %gather3A_21, %add3A_563 : vector<16xi32>
    %convert_element_type3A_585 = arith.extui %le3A_584 : vector<16xi1> to vector<16xi32>
    %add3A_586 = arith.addi %add3A_583, %convert_element_type3A_585 : vector<16xi32>
    %le3A_587 = arith.cmpi sle, %gather3A_24, %add3A_563 : vector<16xi32>
    %convert_element_type3A_588 = arith.extui %le3A_587 : vector<16xi1> to vector<16xi32>
    %add3A_589 = arith.addi %add3A_586, %convert_element_type3A_588 : vector<16xi32>
    %gather3A_590 = tpu.vector_load_idx %arg5[%add3A_589] : memref<16xi32, #tpu.memory_space<vmem>>[vector<16xi32>], vector<16xi32>,
    %mul3A_591 = arith.constant 2048 : i32
    %mul3A_592 = vector.broadcast %mul3A_591 : i32 to vector<16xi32>
    %mul3A_593 = arith.muli %add3A_589, %mul3A_592 : vector<16xi32>
    %sub3A_594 = arith.subi %add3A_563, %gather3A_590 : vector<16xi32>
    %add3A_595 = arith.addi %mul3A_593, %sub3A_594 : vector<16xi32>
    %swap3A_596 = arith.constant 6 : i32
    %swap3A_597 = arith.index_cast %swap3A_596 : i32 to index
    %swap3A_598 = arith.constant 0 : index
    %swap3A_599 = tpu.vector_load %arg6[%swap3A_597, %swap3A_598] {strides = array<i32>} : memref<8x32xi32, #tpu.memory_space<vmem>>, vector<16xi32>,
    tpu.vector_store %arg6[%swap3A_597, %swap3A_598], %add3A_595 {strides = array<i32>} : memref<8x32xi32, #tpu.memory_space<vmem>>, vector<16xi32>,
    %add3A_600 = arith.constant 208 : i32
    %add3A_601 = arith.addi %mul3A_2, %add3A_600 : i32
    %iota3A_602 = tpu.iota {dimensions = array<i32: 0>} : vector<16xi32>
    %add3A_603 = vector.broadcast %add3A_601 : i32 to vector<16xi32>
    %add3A_604 = arith.addi %add3A_603, %iota3A_602 : vector<16xi32>
    %broadcast_in_dim3A_605 = arith.constant 0 : i32
    %broadcast_in_dim3A_606 = vector.broadcast %broadcast_in_dim3A_605 : i32 to vector<16xi32>
    %le3A_607 = arith.cmpi sle, %gather3A, %add3A_604 : vector<16xi32>
    %convert_element_type3A_608 = arith.extui %le3A_607 : vector<16xi1> to vector<16xi32>
    %add3A_609 = arith.addi %broadcast_in_dim3A_606, %convert_element_type3A_608 : vector<16xi32>
    %le3A_610 = arith.cmpi sle, %gather3A_6, %add3A_604 : vector<16xi32>
    %convert_element_type3A_611 = arith.extui %le3A_610 : vector<16xi1> to vector<16xi32>
    %add3A_612 = arith.addi %add3A_609, %convert_element_type3A_611 : vector<16xi32>
    %le3A_613 = arith.cmpi sle, %gather3A_9, %add3A_604 : vector<16xi32>
    %convert_element_type3A_614 = arith.extui %le3A_613 : vector<16xi1> to vector<16xi32>
    %add3A_615 = arith.addi %add3A_612, %convert_element_type3A_614 : vector<16xi32>
    %le3A_616 = arith.cmpi sle, %gather3A_12, %add3A_604 : vector<16xi32>
    %convert_element_type3A_617 = arith.extui %le3A_616 : vector<16xi1> to vector<16xi32>
    %add3A_618 = arith.addi %add3A_615, %convert_element_type3A_617 : vector<16xi32>
    %le3A_619 = arith.cmpi sle, %gather3A_15, %add3A_604 : vector<16xi32>
    %convert_element_type3A_620 = arith.extui %le3A_619 : vector<16xi1> to vector<16xi32>
    %add3A_621 = arith.addi %add3A_618, %convert_element_type3A_620 : vector<16xi32>
    %le3A_622 = arith.cmpi sle, %gather3A_18, %add3A_604 : vector<16xi32>
    %convert_element_type3A_623 = arith.extui %le3A_622 : vector<16xi1> to vector<16xi32>
    %add3A_624 = arith.addi %add3A_621, %convert_element_type3A_623 : vector<16xi32>
    %le3A_625 = arith.cmpi sle, %gather3A_21, %add3A_604 : vector<16xi32>
    %convert_element_type3A_626 = arith.extui %le3A_625 : vector<16xi1> to vector<16xi32>
    %add3A_627 = arith.addi %add3A_624, %convert_element_type3A_626 : vector<16xi32>
    %le3A_628 = arith.cmpi sle, %gather3A_24, %add3A_604 : vector<16xi32>
    %convert_element_type3A_629 = arith.extui %le3A_628 : vector<16xi1> to vector<16xi32>
    %add3A_630 = arith.addi %add3A_627, %convert_element_type3A_629 : vector<16xi32>
    %gather3A_631 = tpu.vector_load_idx %arg5[%add3A_630] : memref<16xi32, #tpu.memory_space<vmem>>[vector<16xi32>], vector<16xi32>,
    %mul3A_632 = arith.constant 2048 : i32
    %mul3A_633 = vector.broadcast %mul3A_632 : i32 to vector<16xi32>
    %mul3A_634 = arith.muli %add3A_630, %mul3A_633 : vector<16xi32>
    %sub3A_635 = arith.subi %add3A_604, %gather3A_631 : vector<16xi32>
    %add3A_636 = arith.addi %mul3A_634, %sub3A_635 : vector<16xi32>
    %swap3A_637 = arith.constant 6 : i32
    %swap3A_638 = arith.index_cast %swap3A_637 : i32 to index
    %swap3A_639 = arith.constant 16 : index
    %swap3A_640 = tpu.vector_load %arg6[%swap3A_638, %swap3A_639] {strides = array<i32>} : memref<8x32xi32, #tpu.memory_space<vmem>>, vector<16xi32>,
    tpu.vector_store %arg6[%swap3A_638, %swap3A_639], %add3A_636 {strides = array<i32>} : memref<8x32xi32, #tpu.memory_space<vmem>>, vector<16xi32>,
    %add3A_641 = arith.constant 224 : i32
    %add3A_642 = arith.addi %mul3A_2, %add3A_641 : i32
    %iota3A_643 = tpu.iota {dimensions = array<i32: 0>} : vector<16xi32>
    %add3A_644 = vector.broadcast %add3A_642 : i32 to vector<16xi32>
    %add3A_645 = arith.addi %add3A_644, %iota3A_643 : vector<16xi32>
    %broadcast_in_dim3A_646 = arith.constant 0 : i32
    %broadcast_in_dim3A_647 = vector.broadcast %broadcast_in_dim3A_646 : i32 to vector<16xi32>
    %le3A_648 = arith.cmpi sle, %gather3A, %add3A_645 : vector<16xi32>
    %convert_element_type3A_649 = arith.extui %le3A_648 : vector<16xi1> to vector<16xi32>
    %add3A_650 = arith.addi %broadcast_in_dim3A_647, %convert_element_type3A_649 : vector<16xi32>
    %le3A_651 = arith.cmpi sle, %gather3A_6, %add3A_645 : vector<16xi32>
    %convert_element_type3A_652 = arith.extui %le3A_651 : vector<16xi1> to vector<16xi32>
    %add3A_653 = arith.addi %add3A_650, %convert_element_type3A_652 : vector<16xi32>
    %le3A_654 = arith.cmpi sle, %gather3A_9, %add3A_645 : vector<16xi32>
    %convert_element_type3A_655 = arith.extui %le3A_654 : vector<16xi1> to vector<16xi32>
    %add3A_656 = arith.addi %add3A_653, %convert_element_type3A_655 : vector<16xi32>
    %le3A_657 = arith.cmpi sle, %gather3A_12, %add3A_645 : vector<16xi32>
    %convert_element_type3A_658 = arith.extui %le3A_657 : vector<16xi1> to vector<16xi32>
    %add3A_659 = arith.addi %add3A_656, %convert_element_type3A_658 : vector<16xi32>
    %le3A_660 = arith.cmpi sle, %gather3A_15, %add3A_645 : vector<16xi32>
    %convert_element_type3A_661 = arith.extui %le3A_660 : vector<16xi1> to vector<16xi32>
    %add3A_662 = arith.addi %add3A_659, %convert_element_type3A_661 : vector<16xi32>
    %le3A_663 = arith.cmpi sle, %gather3A_18, %add3A_645 : vector<16xi32>
    %convert_element_type3A_664 = arith.extui %le3A_663 : vector<16xi1> to vector<16xi32>
    %add3A_665 = arith.addi %add3A_662, %convert_element_type3A_664 : vector<16xi32>
    %le3A_666 = arith.cmpi sle, %gather3A_21, %add3A_645 : vector<16xi32>
    %convert_element_type3A_667 = arith.extui %le3A_666 : vector<16xi1> to vector<16xi32>
    %add3A_668 = arith.addi %add3A_665, %convert_element_type3A_667 : vector<16xi32>
    %le3A_669 = arith.cmpi sle, %gather3A_24, %add3A_645 : vector<16xi32>
    %convert_element_type3A_670 = arith.extui %le3A_669 : vector<16xi1> to vector<16xi32>
    %add3A_671 = arith.addi %add3A_668, %convert_element_type3A_670 : vector<16xi32>
    %gather3A_672 = tpu.vector_load_idx %arg5[%add3A_671] : memref<16xi32, #tpu.memory_space<vmem>>[vector<16xi32>], vector<16xi32>,
    %mul3A_673 = arith.constant 2048 : i32
    %mul3A_674 = vector.broadcast %mul3A_673 : i32 to vector<16xi32>
    %mul3A_675 = arith.muli %add3A_671, %mul3A_674 : vector<16xi32>
    %sub3A_676 = arith.subi %add3A_645, %gather3A_672 : vector<16xi32>
    %add3A_677 = arith.addi %mul3A_675, %sub3A_676 : vector<16xi32>
    %swap3A_678 = arith.constant 7 : i32
    %swap3A_679 = arith.index_cast %swap3A_678 : i32 to index
    %swap3A_680 = arith.constant 0 : index
    %swap3A_681 = tpu.vector_load %arg6[%swap3A_679, %swap3A_680] {strides = array<i32>} : memref<8x32xi32, #tpu.memory_space<vmem>>, vector<16xi32>,
    tpu.vector_store %arg6[%swap3A_679, %swap3A_680], %add3A_677 {strides = array<i32>} : memref<8x32xi32, #tpu.memory_space<vmem>>, vector<16xi32>,
    %add3A_682 = arith.constant 240 : i32
    %add3A_683 = arith.addi %mul3A_2, %add3A_682 : i32
    %iota3A_684 = tpu.iota {dimensions = array<i32: 0>} : vector<16xi32>
    %add3A_685 = vector.broadcast %add3A_683 : i32 to vector<16xi32>
    %add3A_686 = arith.addi %add3A_685, %iota3A_684 : vector<16xi32>
    %broadcast_in_dim3A_687 = arith.constant 0 : i32
    %broadcast_in_dim3A_688 = vector.broadcast %broadcast_in_dim3A_687 : i32 to vector<16xi32>
    %le3A_689 = arith.cmpi sle, %gather3A, %add3A_686 : vector<16xi32>
    %convert_element_type3A_690 = arith.extui %le3A_689 : vector<16xi1> to vector<16xi32>
    %add3A_691 = arith.addi %broadcast_in_dim3A_688, %convert_element_type3A_690 : vector<16xi32>
    %le3A_692 = arith.cmpi sle, %gather3A_6, %add3A_686 : vector<16xi32>
    %convert_element_type3A_693 = arith.extui %le3A_692 : vector<16xi1> to vector<16xi32>
    %add3A_694 = arith.addi %add3A_691, %convert_element_type3A_693 : vector<16xi32>
    %le3A_695 = arith.cmpi sle, %gather3A_9, %add3A_686 : vector<16xi32>
    %convert_element_type3A_696 = arith.extui %le3A_695 : vector<16xi1> to vector<16xi32>
    %add3A_697 = arith.addi %add3A_694, %convert_element_type3A_696 : vector<16xi32>
    %le3A_698 = arith.cmpi sle, %gather3A_12, %add3A_686 : vector<16xi32>
    %convert_element_type3A_699 = arith.extui %le3A_698 : vector<16xi1> to vector<16xi32>
    %add3A_700 = arith.addi %add3A_697, %convert_element_type3A_699 : vector<16xi32>
    %le3A_701 = arith.cmpi sle, %gather3A_15, %add3A_686 : vector<16xi32>
    %convert_element_type3A_702 = arith.extui %le3A_701 : vector<16xi1> to vector<16xi32>
    %add3A_703 = arith.addi %add3A_700, %convert_element_type3A_702 : vector<16xi32>
    %le3A_704 = arith.cmpi sle, %gather3A_18, %add3A_686 : vector<16xi32>
    %convert_element_type3A_705 = arith.extui %le3A_704 : vector<16xi1> to vector<16xi32>
    %add3A_706 = arith.addi %add3A_703, %convert_element_type3A_705 : vector<16xi32>
    %le3A_707 = arith.cmpi sle, %gather3A_21, %add3A_686 : vector<16xi32>
    %convert_element_type3A_708 = arith.extui %le3A_707 : vector<16xi1> to vector<16xi32>
    %add3A_709 = arith.addi %add3A_706, %convert_element_type3A_708 : vector<16xi32>
    %le3A_710 = arith.cmpi sle, %gather3A_24, %add3A_686 : vector<16xi32>
    %convert_element_type3A_711 = arith.extui %le3A_710 : vector<16xi1> to vector<16xi32>
    %add3A_712 = arith.addi %add3A_709, %convert_element_type3A_711 : vector<16xi32>
    %gather3A_713 = tpu.vector_load_idx %arg5[%add3A_712] : memref<16xi32, #tpu.memory_space<vmem>>[vector<16xi32>], vector<16xi32>,
    %mul3A_714 = arith.constant 2048 : i32
    %mul3A_715 = vector.broadcast %mul3A_714 : i32 to vector<16xi32>
    %mul3A_716 = arith.muli %add3A_712, %mul3A_715 : vector<16xi32>
    %sub3A_717 = arith.subi %add3A_686, %gather3A_713 : vector<16xi32>
    %add3A_718 = arith.addi %mul3A_716, %sub3A_717 : vector<16xi32>
    %swap3A_719 = arith.constant 7 : i32
    %swap3A_720 = arith.index_cast %swap3A_719 : i32 to index
    %swap3A_721 = arith.constant 16 : index
    %swap3A_722 = tpu.vector_load %arg6[%swap3A_720, %swap3A_721] {strides = array<i32>} : memref<8x32xi32, #tpu.memory_space<vmem>>, vector<16xi32>,
    tpu.vector_store %arg6[%swap3A_720, %swap3A_721], %add3A_718 {strides = array<i32>} : memref<8x32xi32, #tpu.memory_space<vmem>>, vector<16xi32>,
    %dma_wait3A = arith.constant 0 : i32
    %dma_wait3A_723 = arith.constant 0 : i32
    %dma_wait3A_724 = arith.constant 0 : i32
    %dma_wait3A_725 = arith.constant 0 : i32
    %dma_wait3A_726 = tpu.memref_slice %arg7[%dma_wait3A_723, %dma_wait3A_724, %dma_wait3A_725] : memref<4x32x512xf32, #tpu.memory_space<vmem>> -> memref<1x32x512xf32, #tpu.memory_space<vmem>>
    %dma_wait3A_727 = tpu.memref_squeeze %dma_wait3A_726 : memref<1x32x512xf32, #tpu.memory_space<vmem>> -> memref<32x512xf32, #tpu.memory_space<vmem>>
    %dma_wait3A_728 = arith.constant 0 : i32
    %dma_wait3A_729 = tpu.memref_slice %arg6[%dma_wait3A, %dma_wait3A_728] : memref<8x32xi32, #tpu.memory_space<vmem>> -> memref<1x32xi32, #tpu.memory_space<vmem>>
    %dma_wait3A_730 = tpu.memref_squeeze %dma_wait3A_729 : memref<1x32xi32, #tpu.memory_space<vmem>> -> memref<32xi32, #tpu.memory_space<vmem>>
    %dma_wait3A_731 = arith.constant 0 : i32
    %dma_wait3A_732 = arith.constant 0 : i32
    %dma_wait3A_733 = tpu.memref_slice %arg2[%dma_wait3A_731, %dma_wait3A_732] : memref<16384x512xf32, #tpu.memory_space<hbm>> -> memref<16384x512xf32, #tpu.memory_space<hbm>>
    tpu.wait_indirect_dma semaphore(%arg8 : memref<!tpu.dma_semaphore, #tpu.memory_space<semaphore_mem>>) src(%dma_wait3A_733 : memref<16384x512xf32, #tpu.memory_space<hbm>>) dst(%dma_wait3A_727 : memref<32x512xf32, #tpu.memory_space<vmem>>)
    %add3A_734 = arith.constant 0 : i32
    %add3A_735 = arith.addi %mul3A_2, %add3A_734 : i32
    %dma_start3A_736 = arith.constant 0 : i32
    %dma_start3A_737 = arith.constant 0 : i32
    %dma_start3A_738 = arith.constant 0 : i32
    %dma_start3A_739 = tpu.memref_slice %arg7[%dma_start3A_736, %dma_start3A_737, %dma_start3A_738] : memref<4x32x512xf32, #tpu.memory_space<vmem>> -> memref<1x32x512xf32, #tpu.memory_space<vmem>>
    %dma_start3A_740 = tpu.memref_squeeze %dma_start3A_739 : memref<1x32x512xf32, #tpu.memory_space<vmem>> -> memref<32x512xf32, #tpu.memory_space<vmem>>
    %dma_start3A_741 = arith.constant 0 : i32
    %dma_start3A_742 = tpu.memref_slice %arg4[%add3A_735, %dma_start3A_741] : memref<8192x512xf32, #tpu.memory_space<hbm>> -> memref<32x512xf32, #tpu.memory_space<hbm>>
    %dma_start3A_743 = arith.constant 0 : i32
    %dma_start3A_744 = tpu.memref_slice %arg4[%add3A_735, %dma_start3A_743] : memref<8192x512xf32, #tpu.memory_space<hbm>> -> memref<32x512xf32, #tpu.memory_space<hbm>>
    %dma_start3A_745 = arith.constant 0 : i32
    %dma_start3A_746 = arith.constant 0 : i32
    %dma_start3A_747 = tpu.memref_slice %arg7[%dma_start3A_736, %dma_start3A_745, %dma_start3A_746] : memref<4x32x512xf32, #tpu.memory_space<vmem>> -> memref<1x32x512xf32, #tpu.memory_space<vmem>>
    %dma_start3A_748 = tpu.memref_squeeze %dma_start3A_747 : memref<1x32x512xf32, #tpu.memory_space<vmem>> -> memref<32x512xf32, #tpu.memory_space<vmem>>
    tpu.enqueue_dma source(%dma_start3A_748 : memref<32x512xf32, #tpu.memory_space<vmem>>) target(%dma_start3A_744 : memref<32x512xf32, #tpu.memory_space<hbm>>) target_semaphore(%arg12 : memref<!tpu.dma_semaphore, #tpu.memory_space<semaphore_mem>>)
    %dma_wait3A_749 = arith.constant 0 : i32
    %dma_wait3A_750 = arith.constant 0 : i32
    %dma_wait3A_751 = arith.constant 0 : i32
    %dma_wait3A_752 = tpu.memref_slice %arg7[%dma_wait3A_749, %dma_wait3A_750, %dma_wait3A_751] : memref<4x32x512xf32, #tpu.memory_space<vmem>> -> memref<1x32x512xf32, #tpu.memory_space<vmem>>
    %dma_wait3A_753 = tpu.memref_squeeze %dma_wait3A_752 : memref<1x32x512xf32, #tpu.memory_space<vmem>> -> memref<32x512xf32, #tpu.memory_space<vmem>>
    %dma_wait3A_754 = arith.constant 0 : i32
    %dma_wait3A_755 = tpu.memref_slice %arg4[%add3A_735, %dma_wait3A_754] : memref<8192x512xf32, #tpu.memory_space<hbm>> -> memref<32x512xf32, #tpu.memory_space<hbm>>
    %dma_wait3A_756 = arith.constant 0 : i32
    %dma_wait3A_757 = tpu.memref_slice %arg4[%add3A_735, %dma_wait3A_756] : memref<8192x512xf32, #tpu.memory_space<hbm>> -> memref<32x512xf32, #tpu.memory_space<hbm>>
    %dma_wait3A_758 = arith.constant 0 : i32
    %dma_wait3A_759 = arith.constant 0 : i32
    %dma_wait3A_760 = tpu.memref_slice %arg7[%dma_wait3A_749, %dma_wait3A_758, %dma_wait3A_759] : memref<4x32x512xf32, #tpu.memory_space<vmem>> -> memref<1x32x512xf32, #tpu.memory_space<vmem>>
    %dma_wait3A_761 = tpu.memref_squeeze %dma_wait3A_760 : memref<1x32x512xf32, #tpu.memory_space<vmem>> -> memref<32x512xf32, #tpu.memory_space<vmem>>
    tpu.wait_dma2 semaphore(%arg12 : memref<!tpu.dma_semaphore, #tpu.memory_space<semaphore_mem>>) src(%dma_wait3A_761 : memref<32x512xf32, #tpu.memory_space<vmem>>) dst(%dma_wait3A_757 : memref<32x512xf32, #tpu.memory_space<hbm>>)
    %dma_start3A_762 = arith.constant 4 : i32
    %dma_start3A_763 = arith.constant 0 : i32
    %dma_start3A_764 = arith.constant 0 : i32
    %dma_start3A_765 = arith.constant 0 : i32
    %dma_start3A_766 = tpu.memref_slice %arg7[%dma_start3A_763, %dma_start3A_764, %dma_start3A_765] : memref<4x32x512xf32, #tpu.memory_space<vmem>> -> memref<1x32x512xf32, #tpu.memory_space<vmem>>
    %dma_start3A_767 = tpu.memref_squeeze %dma_start3A_766 : memref<1x32x512xf32, #tpu.memory_space<vmem>> -> memref<32x512xf32, #tpu.memory_space<vmem>>
    %dma_start3A_768 = arith.constant 0 : i32
    %dma_start3A_769 = tpu.memref_slice %arg6[%dma_start3A_762, %dma_start3A_768] : memref<8x32xi32, #tpu.memory_space<vmem>> -> memref<1x32xi32, #tpu.memory_space<vmem>>
    %dma_start3A_770 = tpu.memref_squeeze %dma_start3A_769 : memref<1x32xi32, #tpu.memory_space<vmem>> -> memref<32xi32, #tpu.memory_space<vmem>>
    %dma_start3A_771 = arith.constant 0 : i32
    %dma_start3A_772 = arith.constant 0 : i32
    %dma_start3A_773 = tpu.memref_slice %arg2[%dma_start3A_771, %dma_start3A_772] : memref<16384x512xf32, #tpu.memory_space<hbm>> -> memref<16384x512xf32, #tpu.memory_space<hbm>>
    tpu.enqueue_indirect_dma source(%dma_start3A_773 : memref<16384x512xf32, #tpu.memory_space<hbm>>) target(%dma_start3A_767 : memref<32x512xf32, #tpu.memory_space<vmem>>) offsets(%dma_start3A_770 : memref<32xi32, #tpu.memory_space<vmem>>) semaphore(%arg8 : memref<!tpu.dma_semaphore, #tpu.memory_space<semaphore_mem>>)
    %dma_wait3A_774 = arith.constant 1 : i32
    %dma_wait3A_775 = arith.constant 1 : i32
    %dma_wait3A_776 = arith.constant 0 : i32
    %dma_wait3A_777 = arith.constant 0 : i32
    %dma_wait3A_778 = tpu.memref_slice %arg7[%dma_wait3A_775, %dma_wait3A_776, %dma_wait3A_777] : memref<4x32x512xf32, #tpu.memory_space<vmem>> -> memref<1x32x512xf32, #tpu.memory_space<vmem>>
    %dma_wait3A_779 = tpu.memref_squeeze %dma_wait3A_778 : memref<1x32x512xf32, #tpu.memory_space<vmem>> -> memref<32x512xf32, #tpu.memory_space<vmem>>
    %dma_wait3A_780 = arith.constant 0 : i32
    %dma_wait3A_781 = tpu.memref_slice %arg6[%dma_wait3A_774, %dma_wait3A_780] : memref<8x32xi32, #tpu.memory_space<vmem>> -> memref<1x32xi32, #tpu.memory_space<vmem>>
    %dma_wait3A_782 = tpu.memref_squeeze %dma_wait3A_781 : memref<1x32xi32, #tpu.memory_space<vmem>> -> memref<32xi32, #tpu.memory_space<vmem>>
    %dma_wait3A_783 = arith.constant 0 : i32
    %dma_wait3A_784 = arith.constant 0 : i32
    %dma_wait3A_785 = tpu.memref_slice %arg2[%dma_wait3A_783, %dma_wait3A_784] : memref<16384x512xf32, #tpu.memory_space<hbm>> -> memref<16384x512xf32, #tpu.memory_space<hbm>>
    tpu.wait_indirect_dma semaphore(%arg9 : memref<!tpu.dma_semaphore, #tpu.memory_space<semaphore_mem>>) src(%dma_wait3A_785 : memref<16384x512xf32, #tpu.memory_space<hbm>>) dst(%dma_wait3A_779 : memref<32x512xf32, #tpu.memory_space<vmem>>)
    %add3A_786 = arith.constant 32 : i32
    %add3A_787 = arith.addi %mul3A_2, %add3A_786 : i32
    %dma_start3A_788 = arith.constant 1 : i32
    %dma_start3A_789 = arith.constant 0 : i32
    %dma_start3A_790 = arith.constant 0 : i32
    %dma_start3A_791 = tpu.memref_slice %arg7[%dma_start3A_788, %dma_start3A_789, %dma_start3A_790] : memref<4x32x512xf32, #tpu.memory_space<vmem>> -> memref<1x32x512xf32, #tpu.memory_space<vmem>>
    %dma_start3A_792 = tpu.memref_squeeze %dma_start3A_791 : memref<1x32x512xf32, #tpu.memory_space<vmem>> -> memref<32x512xf32, #tpu.memory_space<vmem>>
    %dma_start3A_793 = arith.constant 0 : i32
    %dma_start3A_794 = tpu.memref_slice %arg4[%add3A_787, %dma_start3A_793] : memref<8192x512xf32, #tpu.memory_space<hbm>> -> memref<32x512xf32, #tpu.memory_space<hbm>>
    %dma_start3A_795 = arith.constant 0 : i32
    %dma_start3A_796 = tpu.memref_slice %arg4[%add3A_787, %dma_start3A_795] : memref<8192x512xf32, #tpu.memory_space<hbm>> -> memref<32x512xf32, #tpu.memory_space<hbm>>
    %dma_start3A_797 = arith.constant 0 : i32
    %dma_start3A_798 = arith.constant 0 : i32
    %dma_start3A_799 = tpu.memref_slice %arg7[%dma_start3A_788, %dma_start3A_797, %dma_start3A_798] : memref<4x32x512xf32, #tpu.memory_space<vmem>> -> memref<1x32x512xf32, #tpu.memory_space<vmem>>
    %dma_start3A_800 = tpu.memref_squeeze %dma_start3A_799 : memref<1x32x512xf32, #tpu.memory_space<vmem>> -> memref<32x512xf32, #tpu.memory_space<vmem>>
    tpu.enqueue_dma source(%dma_start3A_800 : memref<32x512xf32, #tpu.memory_space<vmem>>) target(%dma_start3A_796 : memref<32x512xf32, #tpu.memory_space<hbm>>) target_semaphore(%arg13 : memref<!tpu.dma_semaphore, #tpu.memory_space<semaphore_mem>>)
    %dma_wait3A_801 = arith.constant 1 : i32
    %dma_wait3A_802 = arith.constant 0 : i32
    %dma_wait3A_803 = arith.constant 0 : i32
    %dma_wait3A_804 = tpu.memref_slice %arg7[%dma_wait3A_801, %dma_wait3A_802, %dma_wait3A_803] : memref<4x32x512xf32, #tpu.memory_space<vmem>> -> memref<1x32x512xf32, #tpu.memory_space<vmem>>
    %dma_wait3A_805 = tpu.memref_squeeze %dma_wait3A_804 : memref<1x32x512xf32, #tpu.memory_space<vmem>> -> memref<32x512xf32, #tpu.memory_space<vmem>>
    %dma_wait3A_806 = arith.constant 0 : i32
    %dma_wait3A_807 = tpu.memref_slice %arg4[%add3A_787, %dma_wait3A_806] : memref<8192x512xf32, #tpu.memory_space<hbm>> -> memref<32x512xf32, #tpu.memory_space<hbm>>
    %dma_wait3A_808 = arith.constant 0 : i32
    %dma_wait3A_809 = tpu.memref_slice %arg4[%add3A_787, %dma_wait3A_808] : memref<8192x512xf32, #tpu.memory_space<hbm>> -> memref<32x512xf32, #tpu.memory_space<hbm>>
    %dma_wait3A_810 = arith.constant 0 : i32
    %dma_wait3A_811 = arith.constant 0 : i32
    %dma_wait3A_812 = tpu.memref_slice %arg7[%dma_wait3A_801, %dma_wait3A_810, %dma_wait3A_811] : memref<4x32x512xf32, #tpu.memory_space<vmem>> -> memref<1x32x512xf32, #tpu.memory_space<vmem>>
    %dma_wait3A_813 = tpu.memref_squeeze %dma_wait3A_812 : memref<1x32x512xf32, #tpu.memory_space<vmem>> -> memref<32x512xf32, #tpu.memory_space<vmem>>
    tpu.wait_dma2 semaphore(%arg13 : memref<!tpu.dma_semaphore, #tpu.memory_space<semaphore_mem>>) src(%dma_wait3A_813 : memref<32x512xf32, #tpu.memory_space<vmem>>) dst(%dma_wait3A_809 : memref<32x512xf32, #tpu.memory_space<hbm>>)
    %dma_start3A_814 = arith.constant 5 : i32
    %dma_start3A_815 = arith.constant 1 : i32
    %dma_start3A_816 = arith.constant 0 : i32
    %dma_start3A_817 = arith.constant 0 : i32
    %dma_start3A_818 = tpu.memref_slice %arg7[%dma_start3A_815, %dma_start3A_816, %dma_start3A_817] : memref<4x32x512xf32, #tpu.memory_space<vmem>> -> memref<1x32x512xf32, #tpu.memory_space<vmem>>
    %dma_start3A_819 = tpu.memref_squeeze %dma_start3A_818 : memref<1x32x512xf32, #tpu.memory_space<vmem>> -> memref<32x512xf32, #tpu.memory_space<vmem>>
    %dma_start3A_820 = arith.constant 0 : i32
    %dma_start3A_821 = tpu.memref_slice %arg6[%dma_start3A_814, %dma_start3A_820] : memref<8x32xi32, #tpu.memory_space<vmem>> -> memref<1x32xi32, #tpu.memory_space<vmem>>
    %dma_start3A_822 = tpu.memref_squeeze %dma_start3A_821 : memref<1x32xi32, #tpu.memory_space<vmem>> -> memref<32xi32, #tpu.memory_space<vmem>>
    %dma_start3A_823 = arith.constant 0 : i32
    %dma_start3A_824 = arith.constant 0 : i32
    %dma_start3A_825 = tpu.memref_slice %arg2[%dma_start3A_823, %dma_start3A_824] : memref<16384x512xf32, #tpu.memory_space<hbm>> -> memref<16384x512xf32, #tpu.memory_space<hbm>>
    tpu.enqueue_indirect_dma source(%dma_start3A_825 : memref<16384x512xf32, #tpu.memory_space<hbm>>) target(%dma_start3A_819 : memref<32x512xf32, #tpu.memory_space<vmem>>) offsets(%dma_start3A_822 : memref<32xi32, #tpu.memory_space<vmem>>) semaphore(%arg9 : memref<!tpu.dma_semaphore, #tpu.memory_space<semaphore_mem>>)
    %dma_wait3A_826 = arith.constant 2 : i32
    %dma_wait3A_827 = arith.constant 2 : i32
    %dma_wait3A_828 = arith.constant 0 : i32
    %dma_wait3A_829 = arith.constant 0 : i32
    %dma_wait3A_830 = tpu.memref_slice %arg7[%dma_wait3A_827, %dma_wait3A_828, %dma_wait3A_829] : memref<4x32x512xf32, #tpu.memory_space<vmem>> -> memref<1x32x512xf32, #tpu.memory_space<vmem>>
    %dma_wait3A_831 = tpu.memref_squeeze %dma_wait3A_830 : memref<1x32x512xf32, #tpu.memory_space<vmem>> -> memref<32x512xf32, #tpu.memory_space<vmem>>
    %dma_wait3A_832 = arith.constant 0 : i32
    %dma_wait3A_833 = tpu.memref_slice %arg6[%dma_wait3A_826, %dma_wait3A_832] : memref<8x32xi32, #tpu.memory_space<vmem>> -> memref<1x32xi32, #tpu.memory_space<vmem>>
    %dma_wait3A_834 = tpu.memref_squeeze %dma_wait3A_833 : memref<1x32xi32, #tpu.memory_space<vmem>> -> memref<32xi32, #tpu.memory_space<vmem>>
    %dma_wait3A_835 = arith.constant 0 : i32
    %dma_wait3A_836 = arith.constant 0 : i32
    %dma_wait3A_837 = tpu.memref_slice %arg2[%dma_wait3A_835, %dma_wait3A_836] : memref<16384x512xf32, #tpu.memory_space<hbm>> -> memref<16384x512xf32, #tpu.memory_space<hbm>>
    tpu.wait_indirect_dma semaphore(%arg10 : memref<!tpu.dma_semaphore, #tpu.memory_space<semaphore_mem>>) src(%dma_wait3A_837 : memref<16384x512xf32, #tpu.memory_space<hbm>>) dst(%dma_wait3A_831 : memref<32x512xf32, #tpu.memory_space<vmem>>)
    %add3A_838 = arith.constant 64 : i32
    %add3A_839 = arith.addi %mul3A_2, %add3A_838 : i32
    %dma_start3A_840 = arith.constant 2 : i32
    %dma_start3A_841 = arith.constant 0 : i32
    %dma_start3A_842 = arith.constant 0 : i32
    %dma_start3A_843 = tpu.memref_slice %arg7[%dma_start3A_840, %dma_start3A_841, %dma_start3A_842] : memref<4x32x512xf32, #tpu.memory_space<vmem>> -> memref<1x32x512xf32, #tpu.memory_space<vmem>>
    %dma_start3A_844 = tpu.memref_squeeze %dma_start3A_843 : memref<1x32x512xf32, #tpu.memory_space<vmem>> -> memref<32x512xf32, #tpu.memory_space<vmem>>
    %dma_start3A_845 = arith.constant 0 : i32
    %dma_start3A_846 = tpu.memref_slice %arg4[%add3A_839, %dma_start3A_845] : memref<8192x512xf32, #tpu.memory_space<hbm>> -> memref<32x512xf32, #tpu.memory_space<hbm>>
    %dma_start3A_847 = arith.constant 0 : i32
    %dma_start3A_848 = tpu.memref_slice %arg4[%add3A_839, %dma_start3A_847] : memref<8192x512xf32, #tpu.memory_space<hbm>> -> memref<32x512xf32, #tpu.memory_space<hbm>>
    %dma_start3A_849 = arith.constant 0 : i32
    %dma_start3A_850 = arith.constant 0 : i32
    %dma_start3A_851 = tpu.memref_slice %arg7[%dma_start3A_840, %dma_start3A_849, %dma_start3A_850] : memref<4x32x512xf32, #tpu.memory_space<vmem>> -> memref<1x32x512xf32, #tpu.memory_space<vmem>>
    %dma_start3A_852 = tpu.memref_squeeze %dma_start3A_851 : memref<1x32x512xf32, #tpu.memory_space<vmem>> -> memref<32x512xf32, #tpu.memory_space<vmem>>
    tpu.enqueue_dma source(%dma_start3A_852 : memref<32x512xf32, #tpu.memory_space<vmem>>) target(%dma_start3A_848 : memref<32x512xf32, #tpu.memory_space<hbm>>) target_semaphore(%arg14 : memref<!tpu.dma_semaphore, #tpu.memory_space<semaphore_mem>>)
    %dma_wait3A_853 = arith.constant 2 : i32
    %dma_wait3A_854 = arith.constant 0 : i32
    %dma_wait3A_855 = arith.constant 0 : i32
    %dma_wait3A_856 = tpu.memref_slice %arg7[%dma_wait3A_853, %dma_wait3A_854, %dma_wait3A_855] : memref<4x32x512xf32, #tpu.memory_space<vmem>> -> memref<1x32x512xf32, #tpu.memory_space<vmem>>
    %dma_wait3A_857 = tpu.memref_squeeze %dma_wait3A_856 : memref<1x32x512xf32, #tpu.memory_space<vmem>> -> memref<32x512xf32, #tpu.memory_space<vmem>>
    %dma_wait3A_858 = arith.constant 0 : i32
    %dma_wait3A_859 = tpu.memref_slice %arg4[%add3A_839, %dma_wait3A_858] : memref<8192x512xf32, #tpu.memory_space<hbm>> -> memref<32x512xf32, #tpu.memory_space<hbm>>
    %dma_wait3A_860 = arith.constant 0 : i32
    %dma_wait3A_861 = tpu.memref_slice %arg4[%add3A_839, %dma_wait3A_860] : memref<8192x512xf32, #tpu.memory_space<hbm>> -> memref<32x512xf32, #tpu.memory_space<hbm>>
    %dma_wait3A_862 = arith.constant 0 : i32
    %dma_wait3A_863 = arith.constant 0 : i32
    %dma_wait3A_864 = tpu.memref_slice %arg7[%dma_wait3A_853, %dma_wait3A_862, %dma_wait3A_863] : memref<4x32x512xf32, #tpu.memory_space<vmem>> -> memref<1x32x512xf32, #tpu.memory_space<vmem>>
    %dma_wait3A_865 = tpu.memref_squeeze %dma_wait3A_864 : memref<1x32x512xf32, #tpu.memory_space<vmem>> -> memref<32x512xf32, #tpu.memory_space<vmem>>
    tpu.wait_dma2 semaphore(%arg14 : memref<!tpu.dma_semaphore, #tpu.memory_space<semaphore_mem>>) src(%dma_wait3A_865 : memref<32x512xf32, #tpu.memory_space<vmem>>) dst(%dma_wait3A_861 : memref<32x512xf32, #tpu.memory_space<hbm>>)
    %dma_start3A_866 = arith.constant 6 : i32
    %dma_start3A_867 = arith.constant 2 : i32
    %dma_start3A_868 = arith.constant 0 : i32
    %dma_start3A_869 = arith.constant 0 : i32
    %dma_start3A_870 = tpu.memref_slice %arg7[%dma_start3A_867, %dma_start3A_868, %dma_start3A_869] : memref<4x32x512xf32, #tpu.memory_space<vmem>> -> memref<1x32x512xf32, #tpu.memory_space<vmem>>
    %dma_start3A_871 = tpu.memref_squeeze %dma_start3A_870 : memref<1x32x512xf32, #tpu.memory_space<vmem>> -> memref<32x512xf32, #tpu.memory_space<vmem>>
    %dma_start3A_872 = arith.constant 0 : i32
    %dma_start3A_873 = tpu.memref_slice %arg6[%dma_start3A_866, %dma_start3A_872] : memref<8x32xi32, #tpu.memory_space<vmem>> -> memref<1x32xi32, #tpu.memory_space<vmem>>
    %dma_start3A_874 = tpu.memref_squeeze %dma_start3A_873 : memref<1x32xi32, #tpu.memory_space<vmem>> -> memref<32xi32, #tpu.memory_space<vmem>>
    %dma_start3A_875 = arith.constant 0 : i32
    %dma_start3A_876 = arith.constant 0 : i32
    %dma_start3A_877 = tpu.memref_slice %arg2[%dma_start3A_875, %dma_start3A_876] : memref<16384x512xf32, #tpu.memory_space<hbm>> -> memref<16384x512xf32, #tpu.memory_space<hbm>>
    tpu.enqueue_indirect_dma source(%dma_start3A_877 : memref<16384x512xf32, #tpu.memory_space<hbm>>) target(%dma_start3A_871 : memref<32x512xf32, #tpu.memory_space<vmem>>) offsets(%dma_start3A_874 : memref<32xi32, #tpu.memory_space<vmem>>) semaphore(%arg10 : memref<!tpu.dma_semaphore, #tpu.memory_space<semaphore_mem>>)
    %dma_wait3A_878 = arith.constant 3 : i32
    %dma_wait3A_879 = arith.constant 3 : i32
    %dma_wait3A_880 = arith.constant 0 : i32
    %dma_wait3A_881 = arith.constant 0 : i32
    %dma_wait3A_882 = tpu.memref_slice %arg7[%dma_wait3A_879, %dma_wait3A_880, %dma_wait3A_881] : memref<4x32x512xf32, #tpu.memory_space<vmem>> -> memref<1x32x512xf32, #tpu.memory_space<vmem>>
    %dma_wait3A_883 = tpu.memref_squeeze %dma_wait3A_882 : memref<1x32x512xf32, #tpu.memory_space<vmem>> -> memref<32x512xf32, #tpu.memory_space<vmem>>
    %dma_wait3A_884 = arith.constant 0 : i32
    %dma_wait3A_885 = tpu.memref_slice %arg6[%dma_wait3A_878, %dma_wait3A_884] : memref<8x32xi32, #tpu.memory_space<vmem>> -> memref<1x32xi32, #tpu.memory_space<vmem>>
    %dma_wait3A_886 = tpu.memref_squeeze %dma_wait3A_885 : memref<1x32xi32, #tpu.memory_space<vmem>> -> memref<32xi32, #tpu.memory_space<vmem>>
    %dma_wait3A_887 = arith.constant 0 : i32
    %dma_wait3A_888 = arith.constant 0 : i32
    %dma_wait3A_889 = tpu.memref_slice %arg2[%dma_wait3A_887, %dma_wait3A_888] : memref<16384x512xf32, #tpu.memory_space<hbm>> -> memref<16384x512xf32, #tpu.memory_space<hbm>>
    tpu.wait_indirect_dma semaphore(%arg11 : memref<!tpu.dma_semaphore, #tpu.memory_space<semaphore_mem>>) src(%dma_wait3A_889 : memref<16384x512xf32, #tpu.memory_space<hbm>>) dst(%dma_wait3A_883 : memref<32x512xf32, #tpu.memory_space<vmem>>)
    %add3A_890 = arith.constant 96 : i32
    %add3A_891 = arith.addi %mul3A_2, %add3A_890 : i32
    %dma_start3A_892 = arith.constant 3 : i32
    %dma_start3A_893 = arith.constant 0 : i32
    %dma_start3A_894 = arith.constant 0 : i32
    %dma_start3A_895 = tpu.memref_slice %arg7[%dma_start3A_892, %dma_start3A_893, %dma_start3A_894] : memref<4x32x512xf32, #tpu.memory_space<vmem>> -> memref<1x32x512xf32, #tpu.memory_space<vmem>>
    %dma_start3A_896 = tpu.memref_squeeze %dma_start3A_895 : memref<1x32x512xf32, #tpu.memory_space<vmem>> -> memref<32x512xf32, #tpu.memory_space<vmem>>
    %dma_start3A_897 = arith.constant 0 : i32
    %dma_start3A_898 = tpu.memref_slice %arg4[%add3A_891, %dma_start3A_897] : memref<8192x512xf32, #tpu.memory_space<hbm>> -> memref<32x512xf32, #tpu.memory_space<hbm>>
    %dma_start3A_899 = arith.constant 0 : i32
    %dma_start3A_900 = tpu.memref_slice %arg4[%add3A_891, %dma_start3A_899] : memref<8192x512xf32, #tpu.memory_space<hbm>> -> memref<32x512xf32, #tpu.memory_space<hbm>>
    %dma_start3A_901 = arith.constant 0 : i32
    %dma_start3A_902 = arith.constant 0 : i32
    %dma_start3A_903 = tpu.memref_slice %arg7[%dma_start3A_892, %dma_start3A_901, %dma_start3A_902] : memref<4x32x512xf32, #tpu.memory_space<vmem>> -> memref<1x32x512xf32, #tpu.memory_space<vmem>>
    %dma_start3A_904 = tpu.memref_squeeze %dma_start3A_903 : memref<1x32x512xf32, #tpu.memory_space<vmem>> -> memref<32x512xf32, #tpu.memory_space<vmem>>
    tpu.enqueue_dma source(%dma_start3A_904 : memref<32x512xf32, #tpu.memory_space<vmem>>) target(%dma_start3A_900 : memref<32x512xf32, #tpu.memory_space<hbm>>) target_semaphore(%arg15 : memref<!tpu.dma_semaphore, #tpu.memory_space<semaphore_mem>>)
    %dma_wait3A_905 = arith.constant 3 : i32
    %dma_wait3A_906 = arith.constant 0 : i32
    %dma_wait3A_907 = arith.constant 0 : i32
    %dma_wait3A_908 = tpu.memref_slice %arg7[%dma_wait3A_905, %dma_wait3A_906, %dma_wait3A_907] : memref<4x32x512xf32, #tpu.memory_space<vmem>> -> memref<1x32x512xf32, #tpu.memory_space<vmem>>
    %dma_wait3A_909 = tpu.memref_squeeze %dma_wait3A_908 : memref<1x32x512xf32, #tpu.memory_space<vmem>> -> memref<32x512xf32, #tpu.memory_space<vmem>>
    %dma_wait3A_910 = arith.constant 0 : i32
    %dma_wait3A_911 = tpu.memref_slice %arg4[%add3A_891, %dma_wait3A_910] : memref<8192x512xf32, #tpu.memory_space<hbm>> -> memref<32x512xf32, #tpu.memory_space<hbm>>
    %dma_wait3A_912 = arith.constant 0 : i32
    %dma_wait3A_913 = tpu.memref_slice %arg4[%add3A_891, %dma_wait3A_912] : memref<8192x512xf32, #tpu.memory_space<hbm>> -> memref<32x512xf32, #tpu.memory_space<hbm>>
    %dma_wait3A_914 = arith.constant 0 : i32
    %dma_wait3A_915 = arith.constant 0 : i32
    %dma_wait3A_916 = tpu.memref_slice %arg7[%dma_wait3A_905, %dma_wait3A_914, %dma_wait3A_915] : memref<4x32x512xf32, #tpu.memory_space<vmem>> -> memref<1x32x512xf32, #tpu.memory_space<vmem>>
    %dma_wait3A_917 = tpu.memref_squeeze %dma_wait3A_916 : memref<1x32x512xf32, #tpu.memory_space<vmem>> -> memref<32x512xf32, #tpu.memory_space<vmem>>
    tpu.wait_dma2 semaphore(%arg15 : memref<!tpu.dma_semaphore, #tpu.memory_space<semaphore_mem>>) src(%dma_wait3A_917 : memref<32x512xf32, #tpu.memory_space<vmem>>) dst(%dma_wait3A_913 : memref<32x512xf32, #tpu.memory_space<hbm>>)
    %dma_start3A_918 = arith.constant 7 : i32
    %dma_start3A_919 = arith.constant 3 : i32
    %dma_start3A_920 = arith.constant 0 : i32
    %dma_start3A_921 = arith.constant 0 : i32
    %dma_start3A_922 = tpu.memref_slice %arg7[%dma_start3A_919, %dma_start3A_920, %dma_start3A_921] : memref<4x32x512xf32, #tpu.memory_space<vmem>> -> memref<1x32x512xf32, #tpu.memory_space<vmem>>
    %dma_start3A_923 = tpu.memref_squeeze %dma_start3A_922 : memref<1x32x512xf32, #tpu.memory_space<vmem>> -> memref<32x512xf32, #tpu.memory_space<vmem>>
    %dma_start3A_924 = arith.constant 0 : i32
    %dma_start3A_925 = tpu.memref_slice %arg6[%dma_start3A_918, %dma_start3A_924] : memref<8x32xi32, #tpu.memory_space<vmem>> -> memref<1x32xi32, #tpu.memory_space<vmem>>
    %dma_start3A_926 = tpu.memref_squeeze %dma_start3A_925 : memref<1x32xi32, #tpu.memory_space<vmem>> -> memref<32xi32, #tpu.memory_space<vmem>>
    %dma_start3A_927 = arith.constant 0 : i32
    %dma_start3A_928 = arith.constant 0 : i32
    %dma_start3A_929 = tpu.memref_slice %arg2[%dma_start3A_927, %dma_start3A_928] : memref<16384x512xf32, #tpu.memory_space<hbm>> -> memref<16384x512xf32, #tpu.memory_space<hbm>>
    tpu.enqueue_indirect_dma source(%dma_start3A_929 : memref<16384x512xf32, #tpu.memory_space<hbm>>) target(%dma_start3A_923 : memref<32x512xf32, #tpu.memory_space<vmem>>) offsets(%dma_start3A_926 : memref<32xi32, #tpu.memory_space<vmem>>) semaphore(%arg11 : memref<!tpu.dma_semaphore, #tpu.memory_space<semaphore_mem>>)
    %dma_wait3A_930 = arith.constant 4 : i32
    %dma_wait3A_931 = arith.constant 0 : i32
    %dma_wait3A_932 = arith.constant 0 : i32
    %dma_wait3A_933 = arith.constant 0 : i32
    %dma_wait3A_934 = tpu.memref_slice %arg7[%dma_wait3A_931, %dma_wait3A_932, %dma_wait3A_933] : memref<4x32x512xf32, #tpu.memory_space<vmem>> -> memref<1x32x512xf32, #tpu.memory_space<vmem>>
    %dma_wait3A_935 = tpu.memref_squeeze %dma_wait3A_934 : memref<1x32x512xf32, #tpu.memory_space<vmem>> -> memref<32x512xf32, #tpu.memory_space<vmem>>
    %dma_wait3A_936 = arith.constant 0 : i32
    %dma_wait3A_937 = tpu.memref_slice %arg6[%dma_wait3A_930, %dma_wait3A_936] : memref<8x32xi32, #tpu.memory_space<vmem>> -> memref<1x32xi32, #tpu.memory_space<vmem>>
    %dma_wait3A_938 = tpu.memref_squeeze %dma_wait3A_937 : memref<1x32xi32, #tpu.memory_space<vmem>> -> memref<32xi32, #tpu.memory_space<vmem>>
    %dma_wait3A_939 = arith.constant 0 : i32
    %dma_wait3A_940 = arith.constant 0 : i32
    %dma_wait3A_941 = tpu.memref_slice %arg2[%dma_wait3A_939, %dma_wait3A_940] : memref<16384x512xf32, #tpu.memory_space<hbm>> -> memref<16384x512xf32, #tpu.memory_space<hbm>>
    tpu.wait_indirect_dma semaphore(%arg8 : memref<!tpu.dma_semaphore, #tpu.memory_space<semaphore_mem>>) src(%dma_wait3A_941 : memref<16384x512xf32, #tpu.memory_space<hbm>>) dst(%dma_wait3A_935 : memref<32x512xf32, #tpu.memory_space<vmem>>)
    %add3A_942 = arith.constant 128 : i32
    %add3A_943 = arith.addi %mul3A_2, %add3A_942 : i32
    %dma_start3A_944 = arith.constant 0 : i32
    %dma_start3A_945 = arith.constant 0 : i32
    %dma_start3A_946 = arith.constant 0 : i32
    %dma_start3A_947 = tpu.memref_slice %arg7[%dma_start3A_944, %dma_start3A_945, %dma_start3A_946] : memref<4x32x512xf32, #tpu.memory_space<vmem>> -> memref<1x32x512xf32, #tpu.memory_space<vmem>>
    %dma_start3A_948 = tpu.memref_squeeze %dma_start3A_947 : memref<1x32x512xf32, #tpu.memory_space<vmem>> -> memref<32x512xf32, #tpu.memory_space<vmem>>
    %dma_start3A_949 = arith.constant 0 : i32
    %dma_start3A_950 = tpu.memref_slice %arg4[%add3A_943, %dma_start3A_949] : memref<8192x512xf32, #tpu.memory_space<hbm>> -> memref<32x512xf32, #tpu.memory_space<hbm>>
    %dma_start3A_951 = arith.constant 0 : i32
    %dma_start3A_952 = tpu.memref_slice %arg4[%add3A_943, %dma_start3A_951] : memref<8192x512xf32, #tpu.memory_space<hbm>> -> memref<32x512xf32, #tpu.memory_space<hbm>>
    %dma_start3A_953 = arith.constant 0 : i32
    %dma_start3A_954 = arith.constant 0 : i32
    %dma_start3A_955 = tpu.memref_slice %arg7[%dma_start3A_944, %dma_start3A_953, %dma_start3A_954] : memref<4x32x512xf32, #tpu.memory_space<vmem>> -> memref<1x32x512xf32, #tpu.memory_space<vmem>>
    %dma_start3A_956 = tpu.memref_squeeze %dma_start3A_955 : memref<1x32x512xf32, #tpu.memory_space<vmem>> -> memref<32x512xf32, #tpu.memory_space<vmem>>
    tpu.enqueue_dma source(%dma_start3A_956 : memref<32x512xf32, #tpu.memory_space<vmem>>) target(%dma_start3A_952 : memref<32x512xf32, #tpu.memory_space<hbm>>) target_semaphore(%arg12 : memref<!tpu.dma_semaphore, #tpu.memory_space<semaphore_mem>>)
    %dma_wait3A_957 = arith.constant 5 : i32
    %dma_wait3A_958 = arith.constant 1 : i32
    %dma_wait3A_959 = arith.constant 0 : i32
    %dma_wait3A_960 = arith.constant 0 : i32
    %dma_wait3A_961 = tpu.memref_slice %arg7[%dma_wait3A_958, %dma_wait3A_959, %dma_wait3A_960] : memref<4x32x512xf32, #tpu.memory_space<vmem>> -> memref<1x32x512xf32, #tpu.memory_space<vmem>>
    %dma_wait3A_962 = tpu.memref_squeeze %dma_wait3A_961 : memref<1x32x512xf32, #tpu.memory_space<vmem>> -> memref<32x512xf32, #tpu.memory_space<vmem>>
    %dma_wait3A_963 = arith.constant 0 : i32
    %dma_wait3A_964 = tpu.memref_slice %arg6[%dma_wait3A_957, %dma_wait3A_963] : memref<8x32xi32, #tpu.memory_space<vmem>> -> memref<1x32xi32, #tpu.memory_space<vmem>>
    %dma_wait3A_965 = tpu.memref_squeeze %dma_wait3A_964 : memref<1x32xi32, #tpu.memory_space<vmem>> -> memref<32xi32, #tpu.memory_space<vmem>>
    %dma_wait3A_966 = arith.constant 0 : i32
    %dma_wait3A_967 = arith.constant 0 : i32
    %dma_wait3A_968 = tpu.memref_slice %arg2[%dma_wait3A_966, %dma_wait3A_967] : memref<16384x512xf32, #tpu.memory_space<hbm>> -> memref<16384x512xf32, #tpu.memory_space<hbm>>
    tpu.wait_indirect_dma semaphore(%arg9 : memref<!tpu.dma_semaphore, #tpu.memory_space<semaphore_mem>>) src(%dma_wait3A_968 : memref<16384x512xf32, #tpu.memory_space<hbm>>) dst(%dma_wait3A_962 : memref<32x512xf32, #tpu.memory_space<vmem>>)
    %add3A_969 = arith.constant 160 : i32
    %add3A_970 = arith.addi %mul3A_2, %add3A_969 : i32
    %dma_start3A_971 = arith.constant 1 : i32
    %dma_start3A_972 = arith.constant 0 : i32
    %dma_start3A_973 = arith.constant 0 : i32
    %dma_start3A_974 = tpu.memref_slice %arg7[%dma_start3A_971, %dma_start3A_972, %dma_start3A_973] : memref<4x32x512xf32, #tpu.memory_space<vmem>> -> memref<1x32x512xf32, #tpu.memory_space<vmem>>
    %dma_start3A_975 = tpu.memref_squeeze %dma_start3A_974 : memref<1x32x512xf32, #tpu.memory_space<vmem>> -> memref<32x512xf32, #tpu.memory_space<vmem>>
    %dma_start3A_976 = arith.constant 0 : i32
    %dma_start3A_977 = tpu.memref_slice %arg4[%add3A_970, %dma_start3A_976] : memref<8192x512xf32, #tpu.memory_space<hbm>> -> memref<32x512xf32, #tpu.memory_space<hbm>>
    %dma_start3A_978 = arith.constant 0 : i32
    %dma_start3A_979 = tpu.memref_slice %arg4[%add3A_970, %dma_start3A_978] : memref<8192x512xf32, #tpu.memory_space<hbm>> -> memref<32x512xf32, #tpu.memory_space<hbm>>
    %dma_start3A_980 = arith.constant 0 : i32
    %dma_start3A_981 = arith.constant 0 : i32
    %dma_start3A_982 = tpu.memref_slice %arg7[%dma_start3A_971, %dma_start3A_980, %dma_start3A_981] : memref<4x32x512xf32, #tpu.memory_space<vmem>> -> memref<1x32x512xf32, #tpu.memory_space<vmem>>
    %dma_start3A_983 = tpu.memref_squeeze %dma_start3A_982 : memref<1x32x512xf32, #tpu.memory_space<vmem>> -> memref<32x512xf32, #tpu.memory_space<vmem>>
    tpu.enqueue_dma source(%dma_start3A_983 : memref<32x512xf32, #tpu.memory_space<vmem>>) target(%dma_start3A_979 : memref<32x512xf32, #tpu.memory_space<hbm>>) target_semaphore(%arg13 : memref<!tpu.dma_semaphore, #tpu.memory_space<semaphore_mem>>)
    %dma_wait3A_984 = arith.constant 6 : i32
    %dma_wait3A_985 = arith.constant 2 : i32
    %dma_wait3A_986 = arith.constant 0 : i32
    %dma_wait3A_987 = arith.constant 0 : i32
    %dma_wait3A_988 = tpu.memref_slice %arg7[%dma_wait3A_985, %dma_wait3A_986, %dma_wait3A_987] : memref<4x32x512xf32, #tpu.memory_space<vmem>> -> memref<1x32x512xf32, #tpu.memory_space<vmem>>
    %dma_wait3A_989 = tpu.memref_squeeze %dma_wait3A_988 : memref<1x32x512xf32, #tpu.memory_space<vmem>> -> memref<32x512xf32, #tpu.memory_space<vmem>>
    %dma_wait3A_990 = arith.constant 0 : i32
    %dma_wait3A_991 = tpu.memref_slice %arg6[%dma_wait3A_984, %dma_wait3A_990] : memref<8x32xi32, #tpu.memory_space<vmem>> -> memref<1x32xi32, #tpu.memory_space<vmem>>
    %dma_wait3A_992 = tpu.memref_squeeze %dma_wait3A_991 : memref<1x32xi32, #tpu.memory_space<vmem>> -> memref<32xi32, #tpu.memory_space<vmem>>
    %dma_wait3A_993 = arith.constant 0 : i32
    %dma_wait3A_994 = arith.constant 0 : i32
    %dma_wait3A_995 = tpu.memref_slice %arg2[%dma_wait3A_993, %dma_wait3A_994] : memref<16384x512xf32, #tpu.memory_space<hbm>> -> memref<16384x512xf32, #tpu.memory_space<hbm>>
    tpu.wait_indirect_dma semaphore(%arg10 : memref<!tpu.dma_semaphore, #tpu.memory_space<semaphore_mem>>) src(%dma_wait3A_995 : memref<16384x512xf32, #tpu.memory_space<hbm>>) dst(%dma_wait3A_989 : memref<32x512xf32, #tpu.memory_space<vmem>>)
    %add3A_996 = arith.constant 192 : i32
    %add3A_997 = arith.addi %mul3A_2, %add3A_996 : i32
    %dma_start3A_998 = arith.constant 2 : i32
    %dma_start3A_999 = arith.constant 0 : i32
    %dma_start3A_1000 = arith.constant 0 : i32
    %dma_start3A_1001 = tpu.memref_slice %arg7[%dma_start3A_998, %dma_start3A_999, %dma_start3A_1000] : memref<4x32x512xf32, #tpu.memory_space<vmem>> -> memref<1x32x512xf32, #tpu.memory_space<vmem>>
    %dma_start3A_1002 = tpu.memref_squeeze %dma_start3A_1001 : memref<1x32x512xf32, #tpu.memory_space<vmem>> -> memref<32x512xf32, #tpu.memory_space<vmem>>
    %dma_start3A_1003 = arith.constant 0 : i32
    %dma_start3A_1004 = tpu.memref_slice %arg4[%add3A_997, %dma_start3A_1003] : memref<8192x512xf32, #tpu.memory_space<hbm>> -> memref<32x512xf32, #tpu.memory_space<hbm>>
    %dma_start3A_1005 = arith.constant 0 : i32
    %dma_start3A_1006 = tpu.memref_slice %arg4[%add3A_997, %dma_start3A_1005] : memref<8192x512xf32, #tpu.memory_space<hbm>> -> memref<32x512xf32, #tpu.memory_space<hbm>>
    %dma_start3A_1007 = arith.constant 0 : i32
    %dma_start3A_1008 = arith.constant 0 : i32
    %dma_start3A_1009 = tpu.memref_slice %arg7[%dma_start3A_998, %dma_start3A_1007, %dma_start3A_1008] : memref<4x32x512xf32, #tpu.memory_space<vmem>> -> memref<1x32x512xf32, #tpu.memory_space<vmem>>
    %dma_start3A_1010 = tpu.memref_squeeze %dma_start3A_1009 : memref<1x32x512xf32, #tpu.memory_space<vmem>> -> memref<32x512xf32, #tpu.memory_space<vmem>>
    tpu.enqueue_dma source(%dma_start3A_1010 : memref<32x512xf32, #tpu.memory_space<vmem>>) target(%dma_start3A_1006 : memref<32x512xf32, #tpu.memory_space<hbm>>) target_semaphore(%arg14 : memref<!tpu.dma_semaphore, #tpu.memory_space<semaphore_mem>>)
    %dma_wait3A_1011 = arith.constant 7 : i32
    %dma_wait3A_1012 = arith.constant 3 : i32
    %dma_wait3A_1013 = arith.constant 0 : i32
    %dma_wait3A_1014 = arith.constant 0 : i32
    %dma_wait3A_1015 = tpu.memref_slice %arg7[%dma_wait3A_1012, %dma_wait3A_1013, %dma_wait3A_1014] : memref<4x32x512xf32, #tpu.memory_space<vmem>> -> memref<1x32x512xf32, #tpu.memory_space<vmem>>
    %dma_wait3A_1016 = tpu.memref_squeeze %dma_wait3A_1015 : memref<1x32x512xf32, #tpu.memory_space<vmem>> -> memref<32x512xf32, #tpu.memory_space<vmem>>
    %dma_wait3A_1017 = arith.constant 0 : i32
    %dma_wait3A_1018 = tpu.memref_slice %arg6[%dma_wait3A_1011, %dma_wait3A_1017] : memref<8x32xi32, #tpu.memory_space<vmem>> -> memref<1x32xi32, #tpu.memory_space<vmem>>
    %dma_wait3A_1019 = tpu.memref_squeeze %dma_wait3A_1018 : memref<1x32xi32, #tpu.memory_space<vmem>> -> memref<32xi32, #tpu.memory_space<vmem>>
    %dma_wait3A_1020 = arith.constant 0 : i32
    %dma_wait3A_1021 = arith.constant 0 : i32
    %dma_wait3A_1022 = tpu.memref_slice %arg2[%dma_wait3A_1020, %dma_wait3A_1021] : memref<16384x512xf32, #tpu.memory_space<hbm>> -> memref<16384x512xf32, #tpu.memory_space<hbm>>
    tpu.wait_indirect_dma semaphore(%arg11 : memref<!tpu.dma_semaphore, #tpu.memory_space<semaphore_mem>>) src(%dma_wait3A_1022 : memref<16384x512xf32, #tpu.memory_space<hbm>>) dst(%dma_wait3A_1016 : memref<32x512xf32, #tpu.memory_space<vmem>>)
    %add3A_1023 = arith.constant 224 : i32
    %add3A_1024 = arith.addi %mul3A_2, %add3A_1023 : i32
    %dma_start3A_1025 = arith.constant 3 : i32
    %dma_start3A_1026 = arith.constant 0 : i32
    %dma_start3A_1027 = arith.constant 0 : i32
    %dma_start3A_1028 = tpu.memref_slice %arg7[%dma_start3A_1025, %dma_start3A_1026, %dma_start3A_1027] : memref<4x32x512xf32, #tpu.memory_space<vmem>> -> memref<1x32x512xf32, #tpu.memory_space<vmem>>
    %dma_start3A_1029 = tpu.memref_squeeze %dma_start3A_1028 : memref<1x32x512xf32, #tpu.memory_space<vmem>> -> memref<32x512xf32, #tpu.memory_space<vmem>>
    %dma_start3A_1030 = arith.constant 0 : i32
    %dma_start3A_1031 = tpu.memref_slice %arg4[%add3A_1024, %dma_start3A_1030] : memref<8192x512xf32, #tpu.memory_space<hbm>> -> memref<32x512xf32, #tpu.memory_space<hbm>>
    %dma_start3A_1032 = arith.constant 0 : i32
    %dma_start3A_1033 = tpu.memref_slice %arg4[%add3A_1024, %dma_start3A_1032] : memref<8192x512xf32, #tpu.memory_space<hbm>> -> memref<32x512xf32, #tpu.memory_space<hbm>>
    %dma_start3A_1034 = arith.constant 0 : i32
    %dma_start3A_1035 = arith.constant 0 : i32
    %dma_start3A_1036 = tpu.memref_slice %arg7[%dma_start3A_1025, %dma_start3A_1034, %dma_start3A_1035] : memref<4x32x512xf32, #tpu.memory_space<vmem>> -> memref<1x32x512xf32, #tpu.memory_space<vmem>>
    %dma_start3A_1037 = tpu.memref_squeeze %dma_start3A_1036 : memref<1x32x512xf32, #tpu.memory_space<vmem>> -> memref<32x512xf32, #tpu.memory_space<vmem>>
    tpu.enqueue_dma source(%dma_start3A_1037 : memref<32x512xf32, #tpu.memory_space<vmem>>) target(%dma_start3A_1033 : memref<32x512xf32, #tpu.memory_space<hbm>>) target_semaphore(%arg15 : memref<!tpu.dma_semaphore, #tpu.memory_space<semaphore_mem>>)
    %dma_wait3A_1038 = arith.constant 0 : i32
    %dma_wait3A_1039 = arith.constant 0 : i32
    %dma_wait3A_1040 = arith.constant 0 : i32
    %dma_wait3A_1041 = tpu.memref_slice %arg7[%dma_wait3A_1038, %dma_wait3A_1039, %dma_wait3A_1040] : memref<4x32x512xf32, #tpu.memory_space<vmem>> -> memref<1x32x512xf32, #tpu.memory_space<vmem>>
    %dma_wait3A_1042 = tpu.memref_squeeze %dma_wait3A_1041 : memref<1x32x512xf32, #tpu.memory_space<vmem>> -> memref<32x512xf32, #tpu.memory_space<vmem>>
    %dma_wait3A_1043 = arith.constant 0 : i32
    %dma_wait3A_1044 = tpu.memref_slice %arg4[%add3A_943, %dma_wait3A_1043] : memref<8192x512xf32, #tpu.memory_space<hbm>> -> memref<32x512xf32, #tpu.memory_space<hbm>>
    %dma_wait3A_1045 = arith.constant 0 : i32
    %dma_wait3A_1046 = tpu.memref_slice %arg4[%add3A_943, %dma_wait3A_1045] : memref<8192x512xf32, #tpu.memory_space<hbm>> -> memref<32x512xf32, #tpu.memory_space<hbm>>
    %dma_wait3A_1047 = arith.constant 0 : i32
    %dma_wait3A_1048 = arith.constant 0 : i32
    %dma_wait3A_1049 = tpu.memref_slice %arg7[%dma_wait3A_1038, %dma_wait3A_1047, %dma_wait3A_1048] : memref<4x32x512xf32, #tpu.memory_space<vmem>> -> memref<1x32x512xf32, #tpu.memory_space<vmem>>
    %dma_wait3A_1050 = tpu.memref_squeeze %dma_wait3A_1049 : memref<1x32x512xf32, #tpu.memory_space<vmem>> -> memref<32x512xf32, #tpu.memory_space<vmem>>
    tpu.wait_dma2 semaphore(%arg12 : memref<!tpu.dma_semaphore, #tpu.memory_space<semaphore_mem>>) src(%dma_wait3A_1050 : memref<32x512xf32, #tpu.memory_space<vmem>>) dst(%dma_wait3A_1046 : memref<32x512xf32, #tpu.memory_space<hbm>>)
    %dma_wait3A_1051 = arith.constant 1 : i32
    %dma_wait3A_1052 = arith.constant 0 : i32
    %dma_wait3A_1053 = arith.constant 0 : i32
    %dma_wait3A_1054 = tpu.memref_slice %arg7[%dma_wait3A_1051, %dma_wait3A_1052, %dma_wait3A_1053] : memref<4x32x512xf32, #tpu.memory_space<vmem>> -> memref<1x32x512xf32, #tpu.memory_space<vmem>>
    %dma_wait3A_1055 = tpu.memref_squeeze %dma_wait3A_1054 : memref<1x32x512xf32, #tpu.memory_space<vmem>> -> memref<32x512xf32, #tpu.memory_space<vmem>>
    %dma_wait3A_1056 = arith.constant 0 : i32
    %dma_wait3A_1057 = tpu.memref_slice %arg4[%add3A_970, %dma_wait3A_1056] : memref<8192x512xf32, #tpu.memory_space<hbm>> -> memref<32x512xf32, #tpu.memory_space<hbm>>
    %dma_wait3A_1058 = arith.constant 0 : i32
    %dma_wait3A_1059 = tpu.memref_slice %arg4[%add3A_970, %dma_wait3A_1058] : memref<8192x512xf32, #tpu.memory_space<hbm>> -> memref<32x512xf32, #tpu.memory_space<hbm>>
    %dma_wait3A_1060 = arith.constant 0 : i32
    %dma_wait3A_1061 = arith.constant 0 : i32
    %dma_wait3A_1062 = tpu.memref_slice %arg7[%dma_wait3A_1051, %dma_wait3A_1060, %dma_wait3A_1061] : memref<4x32x512xf32, #tpu.memory_space<vmem>> -> memref<1x32x512xf32, #tpu.memory_space<vmem>>
    %dma_wait3A_1063 = tpu.memref_squeeze %dma_wait3A_1062 : memref<1x32x512xf32, #tpu.memory_space<vmem>> -> memref<32x512xf32, #tpu.memory_space<vmem>>
    tpu.wait_dma2 semaphore(%arg13 : memref<!tpu.dma_semaphore, #tpu.memory_space<semaphore_mem>>) src(%dma_wait3A_1063 : memref<32x512xf32, #tpu.memory_space<vmem>>) dst(%dma_wait3A_1059 : memref<32x512xf32, #tpu.memory_space<hbm>>)
    %dma_wait3A_1064 = arith.constant 2 : i32
    %dma_wait3A_1065 = arith.constant 0 : i32
    %dma_wait3A_1066 = arith.constant 0 : i32
    %dma_wait3A_1067 = tpu.memref_slice %arg7[%dma_wait3A_1064, %dma_wait3A_1065, %dma_wait3A_1066] : memref<4x32x512xf32, #tpu.memory_space<vmem>> -> memref<1x32x512xf32, #tpu.memory_space<vmem>>
    %dma_wait3A_1068 = tpu.memref_squeeze %dma_wait3A_1067 : memref<1x32x512xf32, #tpu.memory_space<vmem>> -> memref<32x512xf32, #tpu.memory_space<vmem>>
    %dma_wait3A_1069 = arith.constant 0 : i32
    %dma_wait3A_1070 = tpu.memref_slice %arg4[%add3A_997, %dma_wait3A_1069] : memref<8192x512xf32, #tpu.memory_space<hbm>> -> memref<32x512xf32, #tpu.memory_space<hbm>>
    %dma_wait3A_1071 = arith.constant 0 : i32
    %dma_wait3A_1072 = tpu.memref_slice %arg4[%add3A_997, %dma_wait3A_1071] : memref<8192x512xf32, #tpu.memory_space<hbm>> -> memref<32x512xf32, #tpu.memory_space<hbm>>
    %dma_wait3A_1073 = arith.constant 0 : i32
    %dma_wait3A_1074 = arith.constant 0 : i32
    %dma_wait3A_1075 = tpu.memref_slice %arg7[%dma_wait3A_1064, %dma_wait3A_1073, %dma_wait3A_1074] : memref<4x32x512xf32, #tpu.memory_space<vmem>> -> memref<1x32x512xf32, #tpu.memory_space<vmem>>
    %dma_wait3A_1076 = tpu.memref_squeeze %dma_wait3A_1075 : memref<1x32x512xf32, #tpu.memory_space<vmem>> -> memref<32x512xf32, #tpu.memory_space<vmem>>
    tpu.wait_dma2 semaphore(%arg14 : memref<!tpu.dma_semaphore, #tpu.memory_space<semaphore_mem>>) src(%dma_wait3A_1076 : memref<32x512xf32, #tpu.memory_space<vmem>>) dst(%dma_wait3A_1072 : memref<32x512xf32, #tpu.memory_space<hbm>>)
    %dma_wait3A_1077 = arith.constant 3 : i32
    %dma_wait3A_1078 = arith.constant 0 : i32
    %dma_wait3A_1079 = arith.constant 0 : i32
    %dma_wait3A_1080 = tpu.memref_slice %arg7[%dma_wait3A_1077, %dma_wait3A_1078, %dma_wait3A_1079] : memref<4x32x512xf32, #tpu.memory_space<vmem>> -> memref<1x32x512xf32, #tpu.memory_space<vmem>>
    %dma_wait3A_1081 = tpu.memref_squeeze %dma_wait3A_1080 : memref<1x32x512xf32, #tpu.memory_space<vmem>> -> memref<32x512xf32, #tpu.memory_space<vmem>>
    %dma_wait3A_1082 = arith.constant 0 : i32
    %dma_wait3A_1083 = tpu.memref_slice %arg4[%add3A_1024, %dma_wait3A_1082] : memref<8192x512xf32, #tpu.memory_space<hbm>> -> memref<32x512xf32, #tpu.memory_space<hbm>>
    %dma_wait3A_1084 = arith.constant 0 : i32
    %dma_wait3A_1085 = tpu.memref_slice %arg4[%add3A_1024, %dma_wait3A_1084] : memref<8192x512xf32, #tpu.memory_space<hbm>> -> memref<32x512xf32, #tpu.memory_space<hbm>>
    %dma_wait3A_1086 = arith.constant 0 : i32
    %dma_wait3A_1087 = arith.constant 0 : i32
    %dma_wait3A_1088 = tpu.memref_slice %arg7[%dma_wait3A_1077, %dma_wait3A_1086, %dma_wait3A_1087] : memref<4x32x512xf32, #tpu.memory_space<vmem>> -> memref<1x32x512xf32, #tpu.memory_space<vmem>>
    %dma_wait3A_1089 = tpu.memref_squeeze %dma_wait3A_1088 : memref<1x32x512xf32, #tpu.memory_space<vmem>> -> memref<32x512xf32, #tpu.memory_space<vmem>>
    tpu.wait_dma2 semaphore(%arg15 : memref<!tpu.dma_semaphore, #tpu.memory_space<semaphore_mem>>) src(%dma_wait3A_1089 : memref<32x512xf32, #tpu.memory_space<vmem>>) dst(%dma_wait3A_1085 : memref<32x512xf32, #tpu.memory_space<hbm>>)
    return
  }
}

</mosaic_0001>

<sc_bundles>
// kernel: kernel.3.cloned.1.call-start
scs
__scs_entry_jumppad:
0x0: {  	(pc) =	sbr.rel $0x88, $3  }
0x1: {  	(tag) =	ssettag $0x0;
	lr =	simm.s32 $0x1  }
0x2: {  	[smem:$0x3F9F] =	sst lr;
	_ =	strace $0xD0000000  }
0x3: {  	_ = 	snop  }
0x4: {  	_ = 	snop  }
0x5: {  	_ = 	snop  }
0x6: {  	_ = 	snop  }
0x7: {  	_ = 	snop  }
__scs_overlays_trampoline_lowered:
0x8: {  	[smem:$0x3FAE] =	sst s0  }
0x9: {  	[smem:$0x3FAF] =	sst s1  }
0xa: {  	[smem:$0x3FB0] =	sst s2  }
0xb: {  	[smem:$0x3FB1] =	sst s3  }
0xc: {  	[smem:$0x3FB2] =	sst s4  }
0xd: {  	[smem:$0x3FB3] =	sst s5  }
0xe: {  	[smem:$0x3FB4] =	sst s6  }
0xf: {  	[smem:$0x3FB5] =	sst s7  }
0x10: {  	[smem:$0x3FB6] =	sst s8  }
0x11: {  	[smem:$0x3FB7] =	sst s9;
	s0 =	simm.s32 @!p0 $0x0  }
0x12: {  	s1 =	sld [smem:$0x3F9D];
	s0 =	simm.s32 @p0 $0x1  }
0x13: {  	[smem:$0x3FB8] =	sst s0;
	s0 =	simm.s32 @!p1 $0x0  }
0x14: {  	s2 =	sld [smem:$0x3F9C];
	s0 =	simm.s32 @p1 $0x1  }
0x15: {  	[smem:$0x3FB9] =	sst s0;
	s0 =	simm.s32 @!p2 $0x0  }
0x16: {  	s3 =	sld [smem:$0x3FDB];
	s0 =	simm.s32 @p2 $0x1  }
0x17: {  	s4 =	simm.s32 $0x1BF5;
	[smem:$0x3FBB] =	sst s0  }
0x18: {  	s0 =	sld [smem:$0x3F9E];
	_ =	swait.ge [sflag:s4], $0x0  }
0x19: {  	s7 =	sld [smem:$0x3F9F]  }
0x1a: {  	s8 =	sadd.s32 $0xFFFFE003, lr  }
0x1b: {  	s9 =	sadd.s32 $0xFFFFFEF7, lr;
	s5 =	simm.s32 $0xFFFFFFFF;
	p2 =	slt.u32 s8, $0xFFFFF086  }
0x1c: {  	p1 =	slt.u32 s9, $0xF7A;
	s5 =	simm.s32 @!p2 $0x0  }
0x1d: {  	s5 =	simm.s32 @p1 $0x1;
	p0 =	seq.s32 s7, s2  }
0x1e: {  	s7 =	smul.u32 @!p0 $0xF7A, s2;
	p2 =	seq.s32 @!p0 s5, $0x0  }
0x1f: {  	s9 =	smul.u32 $0xF7A, s1;
	s8 =	simm.s32 @!p0 $0x1BF5;
	p2 =	por !p2, p0  }
0x20: {  	[sflag:s8] =	ssyncset.s32 @!p0 $0xFFFFF086;
	s6 =	sadd.s32 @!p0 s3, s7;
	s7 =	simm.s32 @!p0 $0x108  }
0x21: {  	s3 =	sadd.s32 s3, s9;
	s6 =	sadd.s32 @!p0 $0x88, s6;
	s7 =	simm.s32 @p2 $0x1082  }
0x22: {  	[simem:s7], [sflag:s8] =	dma.local @!p0 [hbm:s6], $0xF7A  }
0x23: {  	s9 =	sor.u32 $0xD0000000, s2;
	s6 =	simm.s32 $0x108;
	_ =	swait.ge @!p0 [sflag:s8], $0x0  }
0x24: {  	s3 =	sadd.s32 $0x88, s3;
	s6 =	simm.s32 @!p1 $0x1082;
	[sflag:s4] =	ssyncset.s32 $0xFFFFF086  }
0x25: {  	[simem:s6], [sflag:s4] =	dma.local [hbm:s3], $0xF7A  }
0x26: {  	[smem:$0x3F9F] =	sst s1;
	(tag) =	ssettag s2;
	_ =	strace s9  }
0x27: {  	s1 =	sld [smem:$0x3FAF]  }
0x28: {  	s2 =	sld [smem:$0x3FB0]  }
0x29: {  	s4 =	sld [smem:$0x3FB2]  }
0x2a: {  	p0 =	seq.s32 s5, $0x0;
	s5 =	sld [smem:$0x3FB3]  }
0x2b: {  	s6 =	sld [smem:$0x3FB4]  }
0x2c: {  	s7 =	sld [smem:$0x3FB5]  }
0x2d: {  	s3 =	simm.s32 $0x108;
	s8 =	sld [smem:$0x3FB6]  }
0x2e: {  	s3 =	simm.s32 @!p0 $0x1082;
	s9 =	sld [smem:$0x3FB7]  }
0x2f: {  	lr =	sadd.s32 s0, s3;
	s0 =	sld [smem:$0x3FAE]  }
0x30: {  	s3 =	sld [smem:$0x3FB1]  }
0x31: {  	[smem:$0x3FBA] =	sst s10  }
0x32: {  	s10 =	sld [smem:$0x3FB8];
	_ =	sdelay $0x3  }
0x33: {  	p0 =	seq.s32 s10, $0x1;
	s10 =	sld [smem:$0x3FBA];
	_ =	sdelay $0x3  }
0x34: {  	[smem:$0x3FBA] =	sst s10  }
0x35: {  	s10 =	sld [smem:$0x3FB9];
	_ =	sdelay $0x3  }
0x36: {  	p1 =	seq.s32 s10, $0x1;
	s10 =	sld [smem:$0x3FBA];
	_ =	sdelay $0x3  }
0x37: {  	[smem:$0x3FBA] =	sst s10  }
0x38: {  	s10 =	sld [smem:$0x3FBB]  }
0x39: {  	_ = 	snop;
	(pc) =	sbr.ind lr, $3  }
0x3a: {  	_ = 	snop  }
0x3b: {  	_ = 	snop  }
0x3c: {  	p2 =	seq.s32 s10, $0x1;
	s10 =	sld [smem:$0x3FBA]  }
0x3d: {  	_ =	shalt  }
0x3e: {  	_ =	shalt  }
0x3f: {  	_ =	shalt  }
0x40: {  	_ =	shalt  }
0x41: {  	_ =	shalt  }
0x42: {  	_ =	shalt  }
0x43: {  	_ =	shalt  }
0x44: {  	_ =	shalt  }
0x45: {  	_ =	shalt  }
0x46: {  	_ =	shalt  }
0x47: {  	_ =	shalt  }
0x48: {  	_ =	shalt  }
0x49: {  	_ =	shalt  }
0x4a: {  	_ =	shalt  }
0x4b: {  	_ =	shalt  }
0x4c: {  	_ =	shalt  }
0x4d: {  	_ =	shalt  }
0x4e: {  	_ =	shalt  }
0x4f: {  	_ =	shalt  }
0x50: {  	_ =	shalt  }
0x51: {  	_ =	shalt  }
0x52: {  	_ =	shalt  }
0x53: {  	_ =	shalt  }
0x54: {  	_ =	shalt  }
0x55: {  	_ =	shalt  }
0x56: {  	_ =	shalt  }
0x57: {  	_ =	shalt  }
0x58: {  	_ =	shalt  }
0x59: {  	_ =	shalt  }
0x5a: {  	_ =	shalt  }
0x5b: {  	_ =	shalt  }
0x5c: {  	_ =	shalt  }
0x5d: {  	_ =	shalt  }
0x5e: {  	_ =	shalt  }
0x5f: {  	_ =	shalt  }
0x60: {  	_ =	shalt  }
0x61: {  	_ =	shalt  }
0x62: {  	_ =	shalt  }
0x63: {  	_ =	shalt  }
0x64: {  	_ =	shalt  }
0x65: {  	_ =	shalt  }
0x66: {  	_ =	shalt  }
0x67: {  	_ =	shalt  }
0x68: {  	_ =	shalt  }
0x69: {  	_ =	shalt  }
0x6a: {  	_ =	shalt  }
0x6b: {  	_ =	shalt  }
0x6c: {  	_ =	shalt  }
0x6d: {  	_ =	shalt  }
0x6e: {  	_ =	shalt  }
0x6f: {  	_ =	shalt  }
0x70: {  	_ =	shalt  }
0x71: {  	_ =	shalt  }
0x72: {  	_ =	shalt  }
0x73: {  	_ =	shalt  }
0x74: {  	_ =	shalt  }
0x75: {  	_ =	shalt  }
0x76: {  	_ =	shalt  }
0x77: {  	_ =	shalt  }
0x78: {  	_ =	shalt  }
0x79: {  	_ =	shalt  }
0x7a: {  	_ =	shalt  }
0x7b: {  	_ =	shalt  }
0x7c: {  	_ =	shalt  }
0x7d: {  	_ =	shalt  }
0x7e: {  	_ =	shalt  }
0x7f: {  	_ =	shalt  }
0x80: {  	_ =	shalt  }
0x81: {  	_ =	shalt  }
0x82: {  	_ =	shalt  }
0x83: {  	_ =	shalt  }
0x84: {  	_ =	shalt  }
0x85: {  	_ =	shalt  }
0x86: {  	_ =	shalt  }
0x87: {  	_ =	shalt  }
.Lfunc_end0:
.L_simem_size_0:
called_computation_lowered:
.L_overlay_start_0:
0x88: {  	s2 =	sld [smem:$0x3FD9]  }
0x89: {  	s3 =	sld [smem:$0x3FFE];
	_ =	sdelay $0x1  }
0x8a: {  	s1 =	srdreg.scid  }
0x8b: {  	s0 =	sand.u32 $0x1, s1  }
0x8c: {  	s17 =	sshll.u32 s0, $0xA;
	s2 =	sadd.s32 s3, s2  }
0x8d: {  	s2 =	sadd.s32 s2, s17  }
0x8e: {  	[smem:$0x3FC6] =	sst s2  }
0x8f: {  	_ = 	snop  }
0x90: {  	s2 =	sld [smem:$0x3FC9]  }
0x91: {  	s18 =	sld [smem:$0x3FD0];
	(tm) =	ssettm $0x1  }
0x92: {  	s4 =	sld [smem:$0x3FFB];
	_ =	sdelay $0x3  }
0x93: {  	_ =	strace s4  }
0x94: {  	s4 =	sld [smem:$0x3FFC];
	_ =	sdelay $0x3  }
0x95: {  	_ =	strace s4  }
0x96: {  	s4 =	sld [smem:$0x3FFD];
	_ =	sdelay $0x3  }
0x97: {  	_ =	strace s4  }
0x98: {  	_ =	strace $0x8FFFFFFF  }
0x99: {  	s19 =	sld [smem:$0x3FDB];
	_ =	sdelay $0x1  }
0x9a: {  	s5 =	simm.s32 $_scs_section_size  }
0x9b: {  	s6 =	simm.s32 $_size__tile_overlayer_lowered;
	s7 =	simm.s32 $_tile_overlayer_lowered  }
0x9c: {  	s22 =	simm.s32 $0x1BFF;
	s21 =	sshll.u32 s7, $0x1;
	s4 =	sadd.s32 s5, s19  }
0x9d: {  	s8 =	simm.s32 $0x0;
	s20 =	sshll.u32 s6, $0x1;
	s6 =	sadd.s32 s21, s4  }
0x9e: {  	[timem:s8], [sflag:s22] =	dma.local [hbm:s6], s20  }
0x9f: {  	_ =	swait.ge [sflag:s22], s20  }
0xa0: {  	s5 =	ssub.s32 $0x0, s20;
	[sflag:s22] =	ssyncset.done $0x0  }
0xa1: {  	[sflag:s22] =	ssyncadd.s32 s5;
	_ =	sdelay $0x1  }
0xa2: {  	s23 =	simm.s32 $0x1B8B  }
0xa3: {  	_ =	swait.ge [sflag:s23], $0x1  }
0xa4: {  	[sflag:s23] =	ssyncset.done $0x0  }
0xa5: {  	s25 =	simm.s32 $0x1B8E;
	s24 =	sld [smem:$0x3FFE];
	[sflag:s23] =	ssyncadd.s32 $0xFFFFFFFF  }
0xa6: {  	s26 =	simm.s32 $execute0_lowered;
	[smem:$0x3FD2] =	sst s25  }
0xa7: {  	s6 =	sshll.u32 s26, $0x1;
	_ =	strace $0x80000046;
	[dreg:$0x1] =	wrdreg $0xFFFFFFFF  }
0xa8: {  	s28 =	simm.s32 $_size_execute0_lowered;
	s4 =	sadd.s32 s4, s6;
	[dreg:$0x0] =	wrdreg $0x0  }
0xa9: {  	s6 =	sshll.u32 s28, $0x1;
	[dreg:$0x2] =	wrdreg s4  }
0xaa: {  	[dreg:$0x3] =	wrdreg s6  }
0xab: {  	[dreg:$0x4] =	wrdreg $0xC0  }
0xac: {  	_ =	task [dreg:s8], $0x5FFFF  }
0xad: {  	[dreg:$0x1] =	wrdreg $0xFFFFFFFF  }
0xae: {  	[dreg:$0x0] =	wrdreg $0x60  }
0xaf: {  	[dreg:$0x2] =	wrdreg s2  }
0xb0: {  	[dreg:$0x3] =	wrdreg s24  }
0xb1: {  	[dreg:$0x4] =	wrdreg s18  }
0xb2: {  	[dreg:$0x5] =	wrdreg $0x9  }
0xb3: {  	_ =	task.clear_ibuf [dreg:s8], $0x6FFFF;
	_ =	strace $0x90000046  }
0xb4: {  	s29 =	simm.s32 $0x9;
	_ =	strace $0x80000048  }
0xb5: {  	_ =	swait.ge [sflag:s29], $0x1  }
0xb6: {  	[sflag:s29] =	ssyncadd.s32 $0xFFFFFFFF  }
0xb7: {  	_ =	strace $0x90000048  }
0xb8: {  	_ =	sfence  }
0xb9: {  	s30 =	sld [smem:$0x0];
	_ =	sdelay $0x2  }
0xba: {  	s31 =	sshll.u32 s1, $0xD;
	s1 =	sshrl.u32 s1, $0x2  }
0xbb: {  	s3 =	sand.u32 $0x4000, s31;
	s1 =	sadd.s32 s1, s30  }
0xbc: {  	s0 =	sor.u32 s3, s0;
	s1 =	sshll.u32 s1, $0x11  }
0xbd: {  	s0 =	sor.u32 s1, s0  }
0xbe: {  	s0 =	sadd.s32 $0x8F2B, s0  }
0xbf: {  	[sflag:s0] =	ssyncadd.remote.s32 $0x1  }
0xc0: {  	_ =	sfence.sel $0xFFFF  }
0xc1: {  	[dreg:$0x0] =	wrdreg $0xFFFFFFFF;
	(pc) =	sbr.abs _section_cstart, $3  }
0xc2: {  	[dreg:$0x1] =	wrdreg $0xFFFFFFFF  }
0xc3: {  	_ =	task.clear_ibuf [dreg:s8], $0x2FFFF;
	_ =	strace $0x9FFFFFFF  }
0xc4: {  	(tm) =	ssettm $0x7FFFFFFF  }
0xc5: {  	_ =	shalt  }
tec
execute0_lowered:
.L_overlay_start_1:
0x0: {  	(tag) =	ssettag $0x1  }
0x1: {  	s1 =	rddreg [dreg:$0x0]  }
0x2: {  	s0 =	rddreg [dreg:$0x1]  }
0x3: {  	s5 =	rddreg [dreg:$0x2];
	s3 =	simm.s32 $0x0  }
0x4: {  	s2 =	srdreg.scid;
	s6 =	stileid.u32;
	s28 =	simm.s32 $0x1  }
0x5: {  	s31 =	simm.s32 $0xEC80;
	s30 =	simm.s32 $0xF480;
	s29 =	simm.s32 $0xFC80  }
0x6: {  	[smem:$0x7FF] =	sst s3;
	s2 =	sand.u32 $0x1, s2;
	s6 =	sshll.u32 s6, $0x9  }
0x7: {  	s0 =	sadd.s32 $0x400, s0;
	s4 =	ssub.s32 $0x2, s2;
	s2 =	sshll.u32 s2, $0x8  }
0x8: {  	_ =	strace $0x80000047;
	s7 =	sshrl.u32 s4, $0x1;
	s8 =	sor.u32 s2, s6  }
0x9: {  	[dreg:$0x4] =	wrdreg s0;
	s6 =	ssub.s32 s4, s7;
	s9 =	sor.u32 $0x10, s8  }
0xa: {  	s4 =	sadd.s32 $0x100, s1;
	s10 =	sor.u32 $0x20, s8;
	s11 =	sor.u32 $0x30, s8  }
0xb: {  	s12 =	sor.u32 $0x40, s8;
	s13 =	sor.u32 $0x50, s8;
	s14 =	sor.u32 $0x60, s8  }
0xc: {  	s16 =	sor.u32 $0x70, s8;
	s17 =	sor.u32 $0x80, s8;
	s18 =	sor.u32 $0x90, s8  }
0xd: {  	s19 =	sor.u32 $0xA0, s8;
	s0 =	sor.u32 $0xC0, s8;
	s22 =	sshll.u32 s8, $0x6  }
0xe: {  	s2 =	sor.u32 $0xE0, s8;
	s7 =	sadd.s32 s5, s22;
	s15 =	sshll.u32 s10, $0x6  }
0xf: {  	v27 =	vlaneseq.u32;
	s24 =	sshll.u32 s12, $0x6;
	s26 =	sshll.u32 s14, $0x6;
	s20 =	sshll.u32 s17, $0x6  }
0x10: {  	s22 =	sshll.u32 s19, $0x6;
	v7 =	vor.u32 s16, v27;
	v8 =	vor.u32 s17, v27;
	s16 =	simm.s32 $0x5;
	s17 =	simm.s32 $0x2  }
0x11: {  	v5 =	vor.u32 s13, v27;
	v9 =	vor.u32 s18, v27;
	v10 =	vor.u32 s19, v27;
	s18 =	simm.s32 $0x6;
	s19 =	simm.s32 $0x3;
	s13 =	simm.s32 $0x8C80  }
0x12: {  	v2 =	vor.u32 s10, v27;
	v3 =	vor.u32 s11, v27;
	v4 =	vor.u32 s12, v27;
	s12 =	simm.s32 $0xA480;
	s11 =	simm.s32 $0xAC80;
	s10 =	simm.s32 $0xB480  }
0x13: {  	v1 =	vor.u32 s9, v27;
	s9 =	simm.s32 $0xBC80;
	[dreg:$0x5] =	wrdreg s7;
	s23 =	sadd.s32 s5, s15  }
0x14: {  	v6 =	vor.u32 s14, v27;
	s14 =	simm.s32 $0xC480;
	s25 =	sadd.s32 s5, s24;
	[dreg:$0x6] =	wrdreg s23  }
0x15: {  	s15 =	sadd.s32 s5, s26;
	s21 =	sadd.s32 s5, s20;
	[dreg:$0x7] =	wrdreg s25  }
0x16: {  	s24 =	sshll.u32 s0, $0x6;
	s26 =	sshll.u32 s2, $0x6;
	[dreg:$0x8] =	wrdreg s15  }
0x17: {  	v16 =	vimm.s32 $0x1;
	vm0 =	vmmov $0xffff;
	s20 =	sor.u32 $0xB0, s8;
	s7 =	simm.s32 $0xDC80;
	[dreg:$0x9] =	wrdreg s21  }
0x18: {  	v17 =	vimm.s32 $0x2;
	v18 =	vimm.s32 $0x3;
	v19 =	vimm.s32 $0x4;
	s23 =	sadd.s32 s5, s22;
	s25 =	sadd.s32 s5, s24;
	s5 =	sadd.s32 s5, s26  }
0x19: {  	v20 =	vimm.s32 $0x5;
	v21 =	vimm.s32 $0x6;
	v22 =	vimm.s32 $0x7;
	s21 =	sor.u32 $0xD0, s8;
	s22 =	sor.u32 $0xF0, s8;
	[dreg:$0xa] =	wrdreg s23  }
0x1a: {  	v23 =	vimm.s32 $0x8;
	v24 =	vimm.s32 $0x0;
	v11 =	vor.u32 s20, v27;
	s20 =	simm.s32 $0x7;
	s15 =	simm.s32 $0x480;
	[dreg:$0xb] =	wrdreg s25  }
0x1b: {  	v26 =	vshrl.u32 v27, $0x3;
	v25 =	vand.u32 $0x7, v27;
	v0 =	vor.u32 s8, v27;
	s26 =	simm.s32 $0x9C80;
	s8 =	simm.s32 $0xCC80;
	[dreg:$0xc] =	wrdreg s5  }
0x1c: {  	v26 =	vmul.u32 $0x8, v26;
	s5 =	smax.u32 s6, $0x1;
	v13 =	vor.u32 s21, v27;
	v15 =	vor.u32 s22, v27;
	s21 =	simm.s32 $0x4;
	s22 =	simm.s32 $0x8  }
0x1d: {  	v12 =	vor.u32 s0, v27;
	v14 =	vor.u32 s2, v27;
	v27 =	vor.u32 $0x8, v27;
	s23 =	simm.s32 $0x4480;
	s25 =	simm.s32 $0x9480;
	s6 =	simm.s32 $0xD480  }
.LBB2_1:
0x1e: {  	s24 =	rddreg [dreg:$0x4];
	s2 =	simm.s32 $0x9  }
0x1f: {  	[tilespmem:s3], [sflag:$0x9] =	stream.linear.gather [hbm4b:s24+s3], $0x80, $0x38;
	[tilespmem:$0x10480] =	vst v63  }
0x20: {  	_ =	swait.ge [sflag:s2], $0x80  }
0x21: {  	[sflag:s2] =	ssyncset.done $0x0  }
0x22: {  	[sflag:s2] =	ssyncadd.s32 $0xFFFFFF80  }
0x23: {  	v35 =	vld.idx.msk [tilespmem:v16+s3+$0x0], $0xffff  }
0x24: {  	v34 =	vld.idx.msk [tilespmem:v17+s3+$0x0], $0xffff  }
0x25: {  	v33 =	vld.idx.msk [tilespmem:v18+s3+$0x0], $0xffff  }
0x26: {  	v32 =	vld.idx.msk [tilespmem:v19+s3+$0x0], $0xffff  }
0x27: {  	v31 =	vld.idx.msk [tilespmem:v20+s3+$0x0], $0xffff  }
0x28: {  	v30 =	vld.idx.msk [tilespmem:v21+s3+$0x0], $0xffff  }
0x29: {  	v29 =	vld.idx.msk [tilespmem:v22+s3+$0x0], $0xffff;
	vm1 =	vle.s32 v35, v0;
	vm2 =	vle.s32 v34, v0  }
0x2a: {  	v28 =	vld.idx.msk [tilespmem:v23+s3+$0x0], $0xffff;
	v36 =	vsel vm1, $0x1, v24;
	v37 =	vsel vm2, $0x1, v24;
	vm1 =	vle.s32 v33, v0  }
0x2b: {  	v36 =	vadd.s32 v36, v37;
	v55 =	vsel vm1, $0x1, v24;
	vm1 =	vle.s32 v32, v0  }
0x2c: {  	v36 =	vadd.s32 v55, v36;
	v56 =	vsel vm1, $0x1, v24;
	vm1 =	vle.s32 v31, v0  }
0x2d: {  	v36 =	vadd.s32 v56, v36;
	v57 =	vsel vm1, $0x1, v24;
	vm1 =	vle.s32 v30, v0  }
0x2e: {  	v36 =	vadd.s32 v57, v36;
	v58 =	vsel vm1, $0x1, v24;
	vm1 =	vle.s32 v29, v0  }
0x2f: {  	v36 =	vadd.s32 v58, v36;
	v59 =	vsel vm1, $0x1, v24;
	vm1 =	vle.s32 v28, v0  }
0x30: {  	v36 =	vadd.s32 v59, v36;
	v60 =	vsel vm1, $0x1, v24  }
0x31: {  	v36 =	vadd.s32 v60, v36  }
0x32: {  	vm2 =	vle.s32 v34, v1;
	vm1 =	vle.s32 v35, v1  }
0x33: {  	v38 =	vsel vm2, $0x1, v24;
	v61 =	vsel vm1, $0x1, v24;
	vm1 =	vle.s32 v33, v1  }
0x34: {  	v37 =	vadd.s32 v61, v38;
	v62 =	vsel vm1, $0x1, v24;
	vm1 =	vle.s32 v32, v1  }
0x35: {  	v37 =	vadd.s32 v62, v37;
	v63 =	vsel vm1, $0x1, v24;
	vm1 =	vle.s32 v31, v1  }
0x36: {  	v37 =	vadd.s32 v63, v37;
	v40 =	vsel vm1, $0x1, v24;
	vm1 =	vle.s32 v30, v1;
	v39 =	vld.idx.msk [tilespmem:v36+s3+$0x0], $0xffff  }
0x37: {  	v37 =	vadd.s32 v40, v37;
	v41 =	vsel vm1, $0x1, v24;
	vm1 =	vle.s32 v29, v1  }
0x38: {  	v37 =	vadd.s32 v41, v37;
	v42 =	vsel vm1, $0x1, v24;
	vm1 =	vle.s32 v28, v1  }
0x39: {  	v37 =	vadd.s32 v42, v37;
	v43 =	vsel vm1, $0x1, v24  }
0x3a: {  	v37 =	vadd.s32 v43, v37  }
0x3b: {  	v36 =	vshll.u32 v36, $0xB;
	v44 =	vsub.s32 v0, v39  }
0x3c: {  	v36 =	vadd.s32 v44, v36  }
0x3d: {  	v45 =	vshll.u32 v36, $0x2  }
0x3e: {  	v46 =	vand.u32 $0x7, v44;
	[tilespmem:$0x80] =	vst v36;
	v47 =	vand.u32 $0xFFFFFFE0, v45  }
0x3f: {  	v48 =	vld.idx.msk [tilespmem:v37+s3+$0x0], $0xffff;
	v36 =	vor.u32 v46, v47  }
0x40: {  	v38 =	vperm.xlane v36, v25;
	_ =	sdelay $0x1  }
0x41: {  	v38 =	vadd.s32 v26, v38;
	_ =	sdelay $0x1  }
0x42: {  	v37 =	vshll.u32 v37, $0xB;
	v36 =	vperm.xlane v36, v27;
	v39 =	vsub.s32 v1, v48  }
0x43: {  	v37 =	vadd.s32 v37, v39  }
0x44: {  	v36 =	vadd.s32 v26, v36;
	[tilespmem:$0x90] =	vst v37  }
0x45: {  	[tilespmem:s15], [sflag:$0x1] =	stream.indirect_vreg.gather [hbm4b:s1+s3], $0x80, v38, vm0, $0xb8;
	[tilespmem:$0x10480] =	vst v63  }
0x46: {  	s0 =	simm.s32 $0xC80  }
0x47: {  	[tilespmem:s0], [sflag:$0x1] =	stream.indirect_vreg.gather [hbm4b:s4+s3], $0x80, v38, vm0, $0xb8;
	[tilespmem:$0x10480] =	vst v63  }
0x48: {  	s24 =	simm.s32 $0x1480  }
0x49: {  	[tilespmem:s24], [sflag:$0x1] =	stream.indirect_vreg.gather [hbm4b:s1+s3], $0x80, v36, vm0, $0xb8;
	[tilespmem:$0x10480] =	vst v63  }
0x4a: {  	s2 =	simm.s32 $0x1C80  }
0x4b: {  	[tilespmem:s2], [sflag:$0x1] =	stream.indirect_vreg.gather [hbm4b:s4+s3], $0x80, v36, vm0, $0xb8;
	[tilespmem:$0x10480] =	vst v63  }
0x4c: {  	v36 =	vld [tilespmem:$0x90];
	_ =	sdelay $0x4  }
0x4d: {  	v49 =	vshll.u32 v36, $0x2  }
0x4e: {  	v36 =	vand.u32 $0x7, v36;
	v37 =	vand.u32 $0xFFFFFFE0, v49  }
0x4f: {  	vm2 =	vle.s32 v34, v2;
	vm1 =	vle.s32 v35, v2;
	v36 =	vor.u32 v36, v37  }
0x50: {  	v50 =	vsel vm1, $0x1, v24;
	vm1 =	vle.s32 v33, v2;
	v37 =	vperm.xlane v36, v25  }
0x51: {  	v51 =	vsel vm2, $0x1, v24;
	v52 =	vsel vm1, $0x1, v24;
	vm1 =	vle.s32 v32, v2  }
0x52: {  	v53 =	vsel vm1, $0x1, v24;
	vm1 =	vle.s32 v31, v2;
	v37 =	vadd.s32 v26, v37  }
0x53: {  	v54 =	vsel vm1, $0x1, v24;
	v38 =	vadd.s32 v50, v51  }
0x54: {  	vm1 =	vle.s32 v30, v2;
	v38 =	vadd.s32 v52, v38;
	v36 =	vperm.xlane v36, v27  }
0x55: {  	v55 =	vsel vm1, $0x1, v24;
	v38 =	vadd.s32 v53, v38  }
0x56: {  	vm1 =	vle.s32 v29, v2;
	s24 =	simm.s32 $0x2480;
	v38 =	vadd.s32 v54, v38;
	v36 =	vadd.s32 v26, v36  }
0x57: {  	v56 =	vsel vm1, $0x1, v24;
	vm1 =	vle.s32 v28, v2;
	v38 =	vadd.s32 v55, v38;
	[tilespmem:s24], [sflag:$0x1] =	stream.indirect_vreg.gather [hbm4b:s1+s3], $0x80, v37, vm0, $0xb8;
	[tilespmem:$0x10480] =	vst v63  }
0x58: {  	v57 =	vsel vm1, $0x1, v24;
	s2 =	simm.s32 $0x2C80;
	v38 =	vadd.s32 v56, v38  }
0x59: {  	v58 =	vadd.s32 v57, v38;
	[tilespmem:s2], [sflag:$0x1] =	stream.indirect_vreg.gather [hbm4b:s4+s3], $0x80, v37, vm0, $0xb8;
	[tilespmem:$0x10480] =	vst v63  }
0x5a: {  	s24 =	simm.s32 $0x3480  }
0x5b: {  	vm2 =	vle.s32 v34, v3;
	vm1 =	vle.s32 v35, v3;
	[tilespmem:s24], [sflag:$0x1] =	stream.indirect_vreg.gather [hbm4b:s1+s3], $0x80, v36, vm0, $0xb8;
	[tilespmem:$0x10480] =	vst v63  }
0x5c: {  	v60 =	vsel vm2, $0x1, v24;
	v59 =	vsel vm1, $0x1, v24;
	vm1 =	vle.s32 v33, v3;
	s2 =	simm.s32 $0x3C80  }
0x5d: {  	v61 =	vadd.s32 v59, v60;
	v62 =	vsel vm1, $0x1, v24;
	vm1 =	vle.s32 v32, v3;
	[tilespmem:s2], [sflag:$0x1] =	stream.indirect_vreg.gather [hbm4b:s4+s3], $0x80, v36, vm0, $0xb8;
	[tilespmem:$0x10480] =	vst v63  }
0x5e: {  	v40 =	vsel vm1, $0x1, v24;
	vm1 =	vle.s32 v31, v3;
	v36 =	vadd.s32 v62, v61;
	v63 =	vld.idx.msk [tilespmem:v58+s3+$0x0], $0xffff  }
0x5f: {  	v41 =	vsel vm1, $0x1, v24;
	vm1 =	vle.s32 v30, v3;
	v36 =	vadd.s32 v40, v36  }
0x60: {  	v42 =	vsel vm1, $0x1, v24;
	vm1 =	vle.s32 v29, v3;
	v36 =	vadd.s32 v41, v36  }
0x61: {  	v43 =	vsel vm1, $0x1, v24;
	vm1 =	vle.s32 v28, v3;
	v36 =	vadd.s32 v42, v36  }
0x62: {  	v44 =	vsel vm1, $0x1, v24;
	v36 =	vadd.s32 v43, v36  }
0x63: {  	v37 =	vshll.u32 v58, $0xB;
	v36 =	vadd.s32 v44, v36;
	v39 =	vsub.s32 v2, v63  }
0x64: {  	v37 =	vadd.s32 v37, v39  }
0x65: {  	v45 =	vshll.u32 v37, $0x2  }
0x66: {  	v39 =	vand.u32 $0x7, v39;
	v38 =	vand.u32 $0xFFFFFFE0, v45  }
0x67: {  	[tilespmem:$0x100] =	vst v37;
	v46 =	vor.u32 v39, v38  }
0x68: {  	v47 =	vld.idx.msk [tilespmem:v36+s3+$0x0], $0xffff;
	v39 =	vperm.xlane v46, v25;
	_ =	sdelay $0x1  }
0x69: {  	v39 =	vadd.s32 v26, v39  }
0x6a: {  	v36 =	vshll.u32 v36, $0xB  }
0x6b: {  	v36 =	vadd.s32 v3, v36;
	v37 =	vperm.xlane v46, v27  }
0x6c: {  	v36 =	vsub.s32 v36, v47  }
0x6d: {  	v48 =	vadd.s32 v26, v37;
	[tilespmem:$0x110] =	vst v36  }
0x6e: {  	[tilespmem:s23], [sflag:$0x2] =	stream.indirect_vreg.gather [hbm4b:s1+s3], $0x80, v39, vm0, $0xb8;
	[tilespmem:$0x10480] =	vst v63  }
0x6f: {  	s24 =	simm.s32 $0x4C80  }
0x70: {  	[tilespmem:s24], [sflag:$0x2] =	stream.indirect_vreg.gather [hbm4b:s4+s3], $0x80, v39, vm0, $0xb8;
	[tilespmem:$0x10480] =	vst v63  }
0x71: {  	s2 =	simm.s32 $0x5480  }
0x72: {  	[tilespmem:s2], [sflag:$0x2] =	stream.indirect_vreg.gather [hbm4b:s1+s3], $0x80, v48, vm0, $0xb8;
	[tilespmem:$0x10480] =	vst v63  }
0x73: {  	s24 =	simm.s32 $0x5C80  }
0x74: {  	[tilespmem:s24], [sflag:$0x2] =	stream.indirect_vreg.gather [hbm4b:s4+s3], $0x80, v48, vm0, $0xb8;
	[tilespmem:$0x10480] =	vst v63  }
0x75: {  	v36 =	vld [tilespmem:$0x110];
	_ =	sdelay $0x4  }
0x76: {  	v49 =	vshll.u32 v36, $0x2  }
0x77: {  	v36 =	vand.u32 $0x7, v36;
	v37 =	vand.u32 $0xFFFFFFE0, v49  }
0x78: {  	vm2 =	vle.s32 v34, v4;
	vm1 =	vle.s32 v35, v4;
	v36 =	vor.u32 v36, v37  }
0x79: {  	v50 =	vsel vm1, $0x1, v24;
	vm1 =	vle.s32 v33, v4;
	v37 =	vperm.xlane v36, v25  }
0x7a: {  	v51 =	vsel vm2, $0x1, v24;
	v52 =	vsel vm1, $0x1, v24;
	vm1 =	vle.s32 v32, v4  }
0x7b: {  	v53 =	vsel vm1, $0x1, v24;
	vm1 =	vle.s32 v31, v4;
	v37 =	vadd.s32 v26, v37  }
0x7c: {  	v54 =	vsel vm1, $0x1, v24;
	v38 =	vadd.s32 v50, v51  }
0x7d: {  	vm1 =	vle.s32 v30, v4;
	v38 =	vadd.s32 v52, v38;
	v36 =	vperm.xlane v36, v27  }
0x7e: {  	v55 =	vsel vm1, $0x1, v24;
	v38 =	vadd.s32 v53, v38  }
0x7f: {  	vm1 =	vle.s32 v29, v4;
	v38 =	vadd.s32 v54, v38;
	s2 =	simm.s32 $0x6480;
	v36 =	vadd.s32 v26, v36  }
0x80: {  	v56 =	vsel vm1, $0x1, v24;
	vm1 =	vle.s32 v28, v4;
	v38 =	vadd.s32 v55, v38;
	[tilespmem:s2], [sflag:$0x2] =	stream.indirect_vreg.gather [hbm4b:s1+s3], $0x80, v37, vm0, $0xb8;
	[tilespmem:$0x10480] =	vst v63  }
0x81: {  	v57 =	vsel vm1, $0x1, v24;
	v38 =	vadd.s32 v56, v38;
	s24 =	simm.s32 $0x6C80  }
0x82: {  	v58 =	vadd.s32 v57, v38;
	[tilespmem:s24], [sflag:$0x2] =	stream.indirect_vreg.gather [hbm4b:s4+s3], $0x80, v37, vm0, $0xb8;
	[tilespmem:$0x10480] =	vst v63  }
0x83: {  	s2 =	simm.s32 $0x7480  }
0x84: {  	vm2 =	vle.s32 v34, v5;
	vm1 =	vle.s32 v35, v5;
	[tilespmem:s2], [sflag:$0x2] =	stream.indirect_vreg.gather [hbm4b:s1+s3], $0x80, v36, vm0, $0xb8;
	[tilespmem:$0x10480] =	vst v63  }
0x85: {  	v60 =	vsel vm2, $0x1, v24;
	v59 =	vsel vm1, $0x1, v24;
	vm1 =	vle.s32 v33, v5;
	s24 =	simm.s32 $0x7C80  }
0x86: {  	v61 =	vadd.s32 v59, v60;
	v62 =	vsel vm1, $0x1, v24;
	vm1 =	vle.s32 v32, v5;
	[tilespmem:s24], [sflag:$0x2] =	stream.indirect_vreg.gather [hbm4b:s4+s3], $0x80, v36, vm0, $0xb8;
	[tilespmem:$0x10480] =	vst v63  }
0x87: {  	v41 =	vsel vm1, $0x1, v24;
	vm1 =	vle.s32 v31, v5;
	v36 =	vadd.s32 v62, v61;
	v63 =	vld.idx.msk [tilespmem:v58+s3+$0x0], $0xffff  }
0x88: {  	v42 =	vsel vm1, $0x1, v24;
	vm1 =	vle.s32 v30, v5;
	v36 =	vadd.s32 v41, v36  }
0x89: {  	v43 =	vsel vm1, $0x1, v24;
	vm1 =	vle.s32 v29, v5;
	v36 =	vadd.s32 v42, v36  }
0x8a: {  	v44 =	vsel vm1, $0x1, v24;
	vm1 =	vle.s32 v28, v5;
	v36 =	vadd.s32 v43, v36  }
0x8b: {  	v45 =	vsel vm1, $0x1, v24;
	v36 =	vadd.s32 v44, v36  }
0x8c: {  	v37 =	vshll.u32 v58, $0xB;
	v36 =	vadd.s32 v45, v36;
	v39 =	vsub.s32 v4, v63  }
0x8d: {  	v37 =	vadd.s32 v37, v39  }
0x8e: {  	v46 =	vshll.u32 v37, $0x2  }
0x8f: {  	v39 =	vand.u32 $0x7, v39;
	v38 =	vand.u32 $0xFFFFFFE0, v46  }
0x90: {  	[tilespmem:$0x180] =	vst v37;
	v47 =	vor.u32 v39, v38  }
0x91: {  	v48 =	vld.idx.msk [tilespmem:v36+s3+$0x0], $0xffff;
	v39 =	vperm.xlane v47, v25;
	_ =	sdelay $0x1  }
0x92: {  	v39 =	vadd.s32 v26, v39  }
0x93: {  	v36 =	vshll.u32 v36, $0xB  }
0x94: {  	v36 =	vadd.s32 v5, v36;
	v37 =	vperm.xlane v47, v27  }
0x95: {  	v36 =	vsub.s32 v36, v48  }
0x96: {  	s0 =	simm.s32 $0x8480;
	v49 =	vadd.s32 v26, v37;
	[tilespmem:$0x190] =	vst v36  }
0x97: {  	[tilespmem:s0], [sflag:$0x3] =	stream.indirect_vreg.gather [hbm4b:s1+s3], $0x80, v39, vm0, $0xb8;
	[tilespmem:$0x10480] =	vst v63  }
0x98: {  	_ = 	snop  }
0x99: {  	[tilespmem:s13], [sflag:$0x3] =	stream.indirect_vreg.gather [hbm4b:s4+s3], $0x80, v39, vm0, $0xb8;
	[tilespmem:$0x10480] =	vst v63  }
0x9a: {  	_ = 	snop  }
0x9b: {  	[tilespmem:s25], [sflag:$0x3] =	stream.indirect_vreg.gather [hbm4b:s1+s3], $0x80, v49, vm0, $0xb8;
	[tilespmem:$0x10480] =	vst v63  }
0x9c: {  	_ = 	snop  }
0x9d: {  	[tilespmem:s26], [sflag:$0x3] =	stream.indirect_vreg.gather [hbm4b:s4+s3], $0x80, v49, vm0, $0xb8;
	[tilespmem:$0x10480] =	vst v63  }
0x9e: {  	v36 =	vld [tilespmem:$0x190];
	_ =	sdelay $0x4  }
0x9f: {  	v50 =	vshll.u32 v36, $0x2  }
0xa0: {  	v36 =	vand.u32 $0x7, v36;
	v37 =	vand.u32 $0xFFFFFFE0, v50  }
0xa1: {  	vm2 =	vle.s32 v34, v6;
	vm1 =	vle.s32 v35, v6;
	v36 =	vor.u32 v36, v37  }
0xa2: {  	v51 =	vsel vm1, $0x1, v24;
	vm1 =	vle.s32 v33, v6;
	v37 =	vperm.xlane v36, v25  }
0xa3: {  	v52 =	vsel vm2, $0x1, v24;
	v53 =	vsel vm1, $0x1, v24;
	vm1 =	vle.s32 v32, v6  }
0xa4: {  	v54 =	vsel vm1, $0x1, v24;
	vm1 =	vle.s32 v31, v6;
	v37 =	vadd.s32 v26, v37  }
0xa5: {  	v55 =	vsel vm1, $0x1, v24;
	v38 =	vadd.s32 v51, v52  }
0xa6: {  	vm1 =	vle.s32 v30, v6;
	v38 =	vadd.s32 v53, v38;
	v36 =	vperm.xlane v36, v27  }
0xa7: {  	v56 =	vsel vm1, $0x1, v24;
	v38 =	vadd.s32 v54, v38  }
0xa8: {  	vm1 =	vle.s32 v29, v6;
	v38 =	vadd.s32 v55, v38;
	v36 =	vadd.s32 v26, v36  }
0xa9: {  	v57 =	vsel vm1, $0x1, v24;
	vm1 =	vle.s32 v28, v6;
	v38 =	vadd.s32 v56, v38;
	[tilespmem:s12], [sflag:$0x3] =	stream.indirect_vreg.gather [hbm4b:s1+s3], $0x80, v37, vm0, $0xb8;
	[tilespmem:$0x10480] =	vst v63  }
0xaa: {  	v58 =	vsel vm1, $0x1, v24;
	v38 =	vadd.s32 v57, v38  }
0xab: {  	v59 =	vadd.s32 v58, v38;
	[tilespmem:s11], [sflag:$0x3] =	stream.indirect_vreg.gather [hbm4b:s4+s3], $0x80, v37, vm0, $0xb8;
	[tilespmem:$0x10480] =	vst v63  }
0xac: {  	_ = 	snop  }
0xad: {  	vm2 =	vle.s32 v34, v7;
	vm1 =	vle.s32 v35, v7;
	[tilespmem:s10], [sflag:$0x3] =	stream.indirect_vreg.gather [hbm4b:s1+s3], $0x80, v36, vm0, $0xb8;
	[tilespmem:$0x10480] =	vst v63  }
0xae: {  	v61 =	vsel vm2, $0x1, v24;
	v60 =	vsel vm1, $0x1, v24;
	vm1 =	vle.s32 v33, v7  }
0xaf: {  	v62 =	vadd.s32 v60, v61;
	v63 =	vsel vm1, $0x1, v24;
	vm1 =	vle.s32 v32, v7;
	[tilespmem:s9], [sflag:$0x3] =	stream.indirect_vreg.gather [hbm4b:s4+s3], $0x80, v36, vm0, $0xb8;
	[tilespmem:$0x10480] =	vst v63  }
0xb0: {  	v43 =	vsel vm1, $0x1, v24;
	vm1 =	vle.s32 v31, v7;
	v36 =	vadd.s32 v63, v62;
	v42 =	vld.idx.msk [tilespmem:v59+s3+$0x0], $0xffff  }
0xb1: {  	v44 =	vsel vm1, $0x1, v24;
	vm1 =	vle.s32 v30, v7;
	v36 =	vadd.s32 v43, v36  }
0xb2: {  	v45 =	vsel vm1, $0x1, v24;
	vm1 =	vle.s32 v29, v7;
	v36 =	vadd.s32 v44, v36  }
0xb3: {  	v46 =	vsel vm1, $0x1, v24;
	vm1 =	vle.s32 v28, v7;
	v36 =	vadd.s32 v45, v36  }
0xb4: {  	v47 =	vsel vm1, $0x1, v24;
	v36 =	vadd.s32 v46, v36  }
0xb5: {  	v37 =	vshll.u32 v59, $0xB;
	v36 =	vadd.s32 v47, v36;
	v39 =	vsub.s32 v6, v42  }
0xb6: {  	v37 =	vadd.s32 v37, v39  }
0xb7: {  	v48 =	vshll.u32 v37, $0x2  }
0xb8: {  	v39 =	vand.u32 $0x7, v39;
	v38 =	vand.u32 $0xFFFFFFE0, v48  }
0xb9: {  	[tilespmem:$0x200] =	vst v37;
	v49 =	vor.u32 v39, v38  }
0xba: {  	v50 =	vld.idx.msk [tilespmem:v36+s3+$0x0], $0xffff;
	v39 =	vperm.xlane v49, v25;
	_ =	sdelay $0x1  }
0xbb: {  	v39 =	vadd.s32 v26, v39  }
0xbc: {  	v36 =	vshll.u32 v36, $0xB  }
0xbd: {  	v36 =	vadd.s32 v7, v36;
	v37 =	vperm.xlane v49, v27  }
0xbe: {  	v36 =	vsub.s32 v36, v50  }
0xbf: {  	v51 =	vadd.s32 v26, v37;
	[tilespmem:$0x210] =	vst v36  }
0xc0: {  	[tilespmem:s14], [sflag:$0x4] =	stream.indirect_vreg.gather [hbm4b:s1+s3], $0x80, v39, vm0, $0xb8;
	[tilespmem:$0x10480] =	vst v63  }
0xc1: {  	_ = 	snop  }
0xc2: {  	[tilespmem:s8], [sflag:$0x4] =	stream.indirect_vreg.gather [hbm4b:s4+s3], $0x80, v39, vm0, $0xb8;
	[tilespmem:$0x10480] =	vst v63  }
0xc3: {  	_ = 	snop  }
0xc4: {  	[tilespmem:s6], [sflag:$0x4] =	stream.indirect_vreg.gather [hbm4b:s1+s3], $0x80, v51, vm0, $0xb8;
	[tilespmem:$0x10480] =	vst v63  }
0xc5: {  	_ = 	snop  }
0xc6: {  	[tilespmem:s7], [sflag:$0x4] =	stream.indirect_vreg.gather [hbm4b:s4+s3], $0x80, v51, vm0, $0xb8;
	[tilespmem:$0x10480] =	vst v63  }
0xc7: {  	v36 =	vld [tilespmem:$0x210];
	_ =	sdelay $0x3  }
0xc8: {  	vm1 =	vle.s32 v35, v8  }
0xc9: {  	v53 =	vsel vm1, $0x1, v24;
	v52 =	vshll.u32 v36, $0x2  }
0xca: {  	vm1 =	vle.s32 v34, v8;
	v36 =	vand.u32 $0x7, v36;
	v37 =	vand.u32 $0xFFFFFFE0, v52  }
0xcb: {  	v54 =	vsel vm1, $0x1, v24;
	vm1 =	vle.s32 v33, v8;
	v36 =	vor.u32 v36, v37  }
0xcc: {  	v40 =	vsel vm1, $0x1, v24;
	vm1 =	vle.s32 v32, v8;
	v37 =	vperm.xlane v36, v25  }
0xcd: {  	v55 =	vsel vm1, $0x1, v24;
	vm1 =	vle.s32 v31, v8  }
0xce: {  	v56 =	vsel vm1, $0x1, v24;
	vm1 =	vle.s32 v30, v8;
	v37 =	vadd.s32 v26, v37  }
0xcf: {  	v57 =	vsel vm1, $0x1, v24;
	v38 =	vadd.s32 v53, v54  }
0xd0: {  	vm1 =	vle.s32 v29, v8;
	v38 =	vadd.s32 v40, v38;
	v36 =	vperm.xlane v36, v27  }
0xd1: {  	v58 =	vsel vm1, $0x1, v24;
	v38 =	vadd.s32 v55, v38  }
0xd2: {  	s2 =	simm.s32 $0xE480;
	vm1 =	vle.s32 v28, v8;
	v38 =	vadd.s32 v56, v38;
	v36 =	vadd.s32 v26, v36  }
0xd3: {  	v59 =	vsel vm1, $0x1, v24;
	vm1 =	vle.s32 v35, v9;
	v38 =	vadd.s32 v57, v38;
	[tilespmem:s2], [sflag:$0x4] =	stream.indirect_vreg.gather [hbm4b:s1+s3], $0x80, v37, vm0, $0xb8;
	[tilespmem:$0x10480] =	vst v63  }
0xd4: {  	v60 =	vsel vm1, $0x1, v24;
	vm1 =	vle.s32 v34, v9;
	v38 =	vadd.s32 v58, v38  }
0xd5: {  	v62 =	vsel vm1, $0x1, v24;
	vm1 =	vle.s32 v33, v9;
	v61 =	vadd.s32 v59, v38;
	[tilespmem:s31], [sflag:$0x4] =	stream.indirect_vreg.gather [hbm4b:s4+s3], $0x80, v37, vm0, $0xb8;
	[tilespmem:$0x10480] =	vst v63  }
0xd6: {  	v63 =	vsel vm1, $0x1, v24;
	vm1 =	vle.s32 v32, v9;
	v38 =	vadd.s32 v60, v62  }
0xd7: {  	v42 =	vsel vm1, $0x1, v24;
	vm1 =	vle.s32 v31, v9;
	v38 =	vadd.s32 v63, v38;
	[tilespmem:s30], [sflag:$0x4] =	stream.indirect_vreg.gather [hbm4b:s1+s3], $0x80, v36, vm0, $0xb8;
	[tilespmem:$0x10480] =	vst v63  }
0xd8: {  	v43 =	vsel vm1, $0x1, v24;
	vm1 =	vle.s32 v30, v9;
	v38 =	vadd.s32 v42, v38  }
0xd9: {  	v45 =	vsel vm1, $0x1, v24;
	vm1 =	vle.s32 v29, v9;
	v44 =	vadd.s32 v43, v38;
	[tilespmem:s29], [sflag:$0x4] =	stream.indirect_vreg.gather [hbm4b:s4+s3], $0x80, v36, vm0, $0xb8;
	[tilespmem:$0x10480] =	vst v63  }
0xda: {  	v47 =	vsel vm1, $0x1, v24;
	vm1 =	vle.s32 v28, v9;
	v36 =	vadd.s32 v45, v44;
	v46 =	vld.idx.msk [tilespmem:v61+s3+$0x0], $0xffff  }
0xdb: {  	v48 =	vsel vm1, $0x1, v24;
	v36 =	vadd.s32 v47, v36  }
0xdc: {  	v36 =	vadd.s32 v48, v36  }
0xdd: {  	v37 =	vshll.u32 v61, $0xB  }
0xde: {  	v37 =	vadd.s32 v8, v37  }
0xdf: {  	v37 =	vsub.s32 v37, v46  }
0xe0: {  	vm1 =	vle.s32 v35, v10;
	[tilespmem:$0x280] =	vst v37  }
0xe1: {  	v49 =	vsel vm1, $0x1, v24;
	vm1 =	vle.s32 v34, v10;
	v37 =	vld.idx.msk [tilespmem:v36+s3+$0x0], $0xffff  }
0xe2: {  	v50 =	vsel vm1, $0x1, v24;
	vm1 =	vle.s32 v33, v10  }
0xe3: {  	v51 =	vsel vm1, $0x1, v24;
	vm1 =	vle.s32 v32, v10  }
0xe4: {  	v52 =	vsel vm1, $0x1, v24;
	vm1 =	vle.s32 v31, v10;
	v36 =	vshll.u32 v36, $0xB  }
0xe5: {  	v38 =	vadd.s32 v49, v50;
	v53 =	vsel vm1, $0x1, v24;
	v36 =	vadd.s32 v9, v36  }
0xe6: {  	vm1 =	vle.s32 v30, v10;
	v36 =	vsub.s32 v36, v37;
	v37 =	vadd.s32 v51, v38  }
0xe7: {  	v54 =	vsel vm1, $0x1, v24;
	vm1 =	vle.s32 v29, v10;
	v37 =	vadd.s32 v52, v37  }
0xe8: {  	v55 =	vsel vm1, $0x1, v24;
	vm1 =	vle.s32 v28, v10;
	v37 =	vadd.s32 v53, v37  }
0xe9: {  	v56 =	vsel vm1, $0x1, v24;
	vm1 =	vle.s32 v35, v11;
	v37 =	vadd.s32 v54, v37  }
0xea: {  	v57 =	vsel vm1, $0x1, v24;
	vm1 =	vle.s32 v34, v11;
	v37 =	vadd.s32 v55, v37  }
0xeb: {  	v58 =	vsel vm1, $0x1, v24;
	vm1 =	vle.s32 v33, v11;
	v37 =	vadd.s32 v56, v37  }
0xec: {  	v59 =	vsel vm1, $0x1, v24;
	vm1 =	vle.s32 v32, v11;
	v38 =	vadd.s32 v57, v58  }
0xed: {  	v60 =	vsel vm1, $0x1, v24;
	vm1 =	vle.s32 v31, v11;
	v38 =	vadd.s32 v59, v38  }
0xee: {  	v61 =	vsel vm1, $0x1, v24;
	vm1 =	vle.s32 v30, v11;
	v38 =	vadd.s32 v60, v38  }
0xef: {  	v63 =	vsel vm1, $0x1, v24;
	vm1 =	vle.s32 v29, v11;
	[tilespmem:$0x290] =	vst v36;
	v62 =	vadd.s32 v61, v38  }
0xf0: {  	v43 =	vsel vm1, $0x1, v24;
	vm1 =	vle.s32 v28, v11;
	v36 =	vadd.s32 v63, v62;
	v42 =	vld.idx.msk [tilespmem:v37+s3+$0x0], $0xffff  }
0xf1: {  	v44 =	vsel vm1, $0x1, v24;
	v36 =	vadd.s32 v43, v36  }
0xf2: {  	v36 =	vadd.s32 v44, v36  }
0xf3: {  	v37 =	vshll.u32 v37, $0xB  }
0xf4: {  	v37 =	vadd.s32 v10, v37  }
0xf5: {  	v37 =	vsub.s32 v37, v42  }
0xf6: {  	vm1 =	vle.s32 v35, v12;
	[tilespmem:$0x300] =	vst v37  }
0xf7: {  	v45 =	vsel vm1, $0x1, v24;
	vm1 =	vle.s32 v34, v12;
	v37 =	vld.idx.msk [tilespmem:v36+s3+$0x0], $0xffff  }
0xf8: {  	v46 =	vsel vm1, $0x1, v24;
	vm1 =	vle.s32 v33, v12  }
0xf9: {  	v47 =	vsel vm1, $0x1, v24;
	vm1 =	vle.s32 v32, v12  }
0xfa: {  	v48 =	vsel vm1, $0x1, v24;
	vm1 =	vle.s32 v31, v12;
	v36 =	vshll.u32 v36, $0xB  }
0xfb: {  	v49 =	vsel vm1, $0x1, v24;
	v38 =	vadd.s32 v45, v46;
	v36 =	vadd.s32 v11, v36  }
0xfc: {  	vm1 =	vle.s32 v30, v12;
	v36 =	vsub.s32 v36, v37;
	v37 =	vadd.s32 v47, v38  }
0xfd: {  	v50 =	vsel vm1, $0x1, v24;
	vm1 =	vle.s32 v29, v12;
	v37 =	vadd.s32 v48, v37  }
0xfe: {  	v51 =	vsel vm1, $0x1, v24;
	vm1 =	vle.s32 v28, v12;
	v37 =	vadd.s32 v49, v37  }
0xff: {  	v52 =	vsel vm1, $0x1, v24;
	vm1 =	vle.s32 v35, v13;
	v37 =	vadd.s32 v50, v37  }
0x100: {  	v53 =	vsel vm1, $0x1, v24;
	vm1 =	vle.s32 v34, v13;
	v37 =	vadd.s32 v51, v37  }
0x101: {  	v54 =	vsel vm1, $0x1, v24;
	vm1 =	vle.s32 v33, v13;
	v37 =	vadd.s32 v52, v37  }
0x102: {  	v55 =	vsel vm1, $0x1, v24;
	vm1 =	vle.s32 v32, v13;
	v38 =	vadd.s32 v53, v54  }
0x103: {  	v56 =	vsel vm1, $0x1, v24;
	vm1 =	vle.s32 v31, v13;
	v38 =	vadd.s32 v55, v38  }
0x104: {  	v57 =	vsel vm1, $0x1, v24;
	vm1 =	vle.s32 v30, v13;
	v38 =	vadd.s32 v56, v38  }
0x105: {  	v59 =	vsel vm1, $0x1, v24;
	vm1 =	vle.s32 v29, v13;
	[tilespmem:$0x310] =	vst v36;
	v58 =	vadd.s32 v57, v38  }
0x106: {  	v61 =	vsel vm1, $0x1, v24;
	vm1 =	vle.s32 v28, v13;
	v36 =	vadd.s32 v59, v58;
	v60 =	vld.idx.msk [tilespmem:v37+s3+$0x0], $0xffff  }
0x107: {  	v62 =	vsel vm1, $0x1, v24;
	v36 =	vadd.s32 v61, v36  }
0x108: {  	v36 =	vadd.s32 v62, v36  }
0x109: {  	v37 =	vshll.u32 v37, $0xB  }
0x10a: {  	v37 =	vadd.s32 v12, v37  }
0x10b: {  	v37 =	vsub.s32 v37, v60  }
0x10c: {  	vm1 =	vle.s32 v35, v14;
	[tilespmem:$0x380] =	vst v37  }
0x10d: {  	v63 =	vsel vm1, $0x1, v24;
	vm1 =	vle.s32 v34, v14;
	v37 =	vld.idx.msk [tilespmem:v36+s3+$0x0], $0xffff  }
0x10e: {  	v42 =	vsel vm1, $0x1, v24;
	vm1 =	vle.s32 v33, v14  }
0x10f: {  	v43 =	vsel vm1, $0x1, v24;
	vm1 =	vle.s32 v32, v14  }
0x110: {  	v44 =	vsel vm1, $0x1, v24;
	vm1 =	vle.s32 v31, v14;
	v36 =	vshll.u32 v36, $0xB  }
0x111: {  	v45 =	vsel vm1, $0x1, v24;
	v38 =	vadd.s32 v63, v42;
	v36 =	vadd.s32 v13, v36  }
0x112: {  	vm1 =	vle.s32 v30, v14;
	v36 =	vsub.s32 v36, v37;
	v37 =	vadd.s32 v43, v38  }
0x113: {  	v46 =	vsel vm1, $0x1, v24;
	vm1 =	vle.s32 v29, v14;
	v37 =	vadd.s32 v44, v37  }
0x114: {  	v47 =	vsel vm1, $0x1, v24;
	vm1 =	vle.s32 v28, v14;
	v37 =	vadd.s32 v45, v37  }
0x115: {  	v48 =	vsel vm1, $0x1, v24;
	vm1 =	vle.s32 v35, v15;
	v37 =	vadd.s32 v46, v37  }
0x116: {  	v50 =	vsel vm1, $0x1, v24;
	vm1 =	vle.s32 v34, v15;
	v49 =	vadd.s32 v47, v37  }
0x117: {  	v52 =	vsel vm1, $0x1, v24;
	vm1 =	vle.s32 v33, v15;
	v51 =	vadd.s32 v48, v49  }
0x118: {  	v53 =	vadd.s32 v50, v52;
	v54 =	vsel vm1, $0x1, v24;
	vm1 =	vle.s32 v32, v15  }
0x119: {  	v55 =	vadd.s32 v54, v53;
	v56 =	vsel vm1, $0x1, v24;
	vm1 =	vle.s32 v31, v15  }
0x11a: {  	v57 =	vadd.s32 v56, v55;
	v58 =	vsel vm1, $0x1, v24;
	vm1 =	vle.s32 v30, v15  }
0x11b: {  	v59 =	vadd.s32 v58, v57;
	v60 =	vsel vm1, $0x1, v24;
	vm1 =	vle.s32 v29, v15;
	[tilespmem:$0x390] =	vst v36  }
0x11c: {  	v30 =	vadd.s32 v60, v59;
	v61 =	vsel vm1, $0x1, v24;
	vm1 =	vle.s32 v28, v15;
	v29 =	vld.idx.msk [tilespmem:v51+s3+$0x0], $0xffff  }
0x11d: {  	v28 =	vadd.s32 v61, v30;
	v62 =	vsel vm1, $0x1, v24  }
0x11e: {  	v28 =	vadd.s32 v62, v28  }
0x11f: {  	v63 =	vshll.u32 v51, $0xB  }
0x120: {  	v30 =	vadd.s32 v14, v63  }
0x121: {  	v29 =	vsub.s32 v30, v29  }
0x122: {  	[tilespmem:$0x400] =	vst v29  }
0x123: {  	v29 =	vld.idx.msk [tilespmem:v28+s3+$0x0], $0xffff;
	_ =	sdelay $0x2  }
0x124: {  	v28 =	vshll.u32 v28, $0xB  }
0x125: {  	v28 =	vadd.s32 v15, v28  }
0x126: {  	v28 =	vsub.s32 v28, v29  }
0x127: {  	[tilespmem:$0x410] =	vst v28  }
0x128: {  	_ =	swait.ge [sflag:s28], $0x4000  }
0x129: {  	[sflag:s28] =	ssyncset.done $0x0  }
0x12a: {  	s24 =	rddreg [dreg:$0x5];
	[sflag:s28] =	ssyncadd.s32 $0xFFFFC000  }
0x12b: {  	[hbm4b:s24+s3] =	stream.linear.scatter [tilespmem:s15], [sflag:$0x5], $0x4000, $0x38;
	[tilespmem:$0x10480] =	vst v63  }
0x12c: {  	_ =	swait.ge [sflag:s16], $0x4000  }
0x12d: {  	[sflag:s16] =	ssyncset.done $0x0  }
0x12e: {  	[sflag:s16] =	ssyncadd.s32 $0xFFFFC000  }
0x12f: {  	v28 =	vld [tilespmem:$0x280];
	_ =	sdelay $0x4  }
0x130: {  	v29 =	vshll.u32 v28, $0x2  }
0x131: {  	v28 =	vand.u32 $0x7, v28;
	v29 =	vand.u32 $0xFFFFFFE0, v29  }
0x132: {  	v28 =	vor.u32 v28, v29  }
0x133: {  	v29 =	vperm.xlane v28, v25;
	_ =	sdelay $0x1  }
0x134: {  	v29 =	vadd.s32 v26, v29;
	_ =	sdelay $0x1  }
0x135: {  	v28 =	vperm.xlane v28, v27;
	_ =	sdelay $0x1  }
0x136: {  	v28 =	vadd.s32 v26, v28  }
0x137: {  	[tilespmem:s15], [sflag:$0x1] =	stream.indirect_vreg.gather [hbm4b:s1+s3], $0x80, v29, vm0, $0xb8;
	[tilespmem:$0x10480] =	vst v63  }
0x138: {  	s24 =	simm.s32 $0xC80  }
0x139: {  	[tilespmem:s24], [sflag:$0x1] =	stream.indirect_vreg.gather [hbm4b:s4+s3], $0x80, v29, vm0, $0xb8;
	[tilespmem:$0x10480] =	vst v63  }
0x13a: {  	s24 =	simm.s32 $0x1480  }
0x13b: {  	[tilespmem:s24], [sflag:$0x1] =	stream.indirect_vreg.gather [hbm4b:s1+s3], $0x80, v28, vm0, $0xb8;
	[tilespmem:$0x10480] =	vst v63  }
0x13c: {  	s24 =	simm.s32 $0x1C80  }
0x13d: {  	[tilespmem:s24], [sflag:$0x1] =	stream.indirect_vreg.gather [hbm4b:s4+s3], $0x80, v28, vm0, $0xb8;
	[tilespmem:$0x10480] =	vst v63  }
0x13e: {  	v28 =	vld [tilespmem:$0x290];
	_ =	sdelay $0x4  }
0x13f: {  	v29 =	vshll.u32 v28, $0x2  }
0x140: {  	v28 =	vand.u32 $0x7, v28;
	v29 =	vand.u32 $0xFFFFFFE0, v29  }
0x141: {  	v28 =	vor.u32 v28, v29  }
0x142: {  	v29 =	vperm.xlane v28, v25;
	_ =	sdelay $0x1  }
0x143: {  	v29 =	vadd.s32 v26, v29;
	_ =	sdelay $0x1  }
0x144: {  	v28 =	vperm.xlane v28, v27;
	_ =	sdelay $0x1  }
0x145: {  	s24 =	simm.s32 $0x2480;
	v28 =	vadd.s32 v26, v28  }
0x146: {  	[tilespmem:s24], [sflag:$0x1] =	stream.indirect_vreg.gather [hbm4b:s1+s3], $0x80, v29, vm0, $0xb8;
	[tilespmem:$0x10480] =	vst v63  }
0x147: {  	s24 =	simm.s32 $0x2C80  }
0x148: {  	[tilespmem:s24], [sflag:$0x1] =	stream.indirect_vreg.gather [hbm4b:s4+s3], $0x80, v29, vm0, $0xb8;
	[tilespmem:$0x10480] =	vst v63  }
0x149: {  	s24 =	simm.s32 $0x3480  }
0x14a: {  	[tilespmem:s24], [sflag:$0x1] =	stream.indirect_vreg.gather [hbm4b:s1+s3], $0x80, v28, vm0, $0xb8;
	[tilespmem:$0x10480] =	vst v63  }
0x14b: {  	s24 =	simm.s32 $0x3C80  }
0x14c: {  	[tilespmem:s24], [sflag:$0x1] =	stream.indirect_vreg.gather [hbm4b:s4+s3], $0x80, v28, vm0, $0xb8;
	[tilespmem:$0x10480] =	vst v63  }
0x14d: {  	_ =	swait.ge [sflag:s17], $0x4000  }
0x14e: {  	[sflag:s17] =	ssyncset.done $0x0  }
0x14f: {  	s24 =	rddreg [dreg:$0x6];
	[sflag:s17] =	ssyncadd.s32 $0xFFFFC000  }
0x150: {  	[hbm4b:s24+s3] =	stream.linear.scatter [tilespmem:s23], [sflag:$0x6], $0x4000, $0x38;
	[tilespmem:$0x10480] =	vst v63  }
0x151: {  	_ =	swait.ge [sflag:s18], $0x4000  }
0x152: {  	[sflag:s18] =	ssyncset.done $0x0  }
0x153: {  	[sflag:s18] =	ssyncadd.s32 $0xFFFFC000  }
0x154: {  	v28 =	vld [tilespmem:$0x300];
	_ =	sdelay $0x4  }
0x155: {  	v29 =	vshll.u32 v28, $0x2  }
0x156: {  	v28 =	vand.u32 $0x7, v28;
	v29 =	vand.u32 $0xFFFFFFE0, v29  }
0x157: {  	v28 =	vor.u32 v28, v29  }
0x158: {  	v29 =	vperm.xlane v28, v25;
	_ =	sdelay $0x1  }
0x159: {  	v29 =	vadd.s32 v26, v29;
	_ =	sdelay $0x1  }
0x15a: {  	v28 =	vperm.xlane v28, v27;
	_ =	sdelay $0x1  }
0x15b: {  	v28 =	vadd.s32 v26, v28  }
0x15c: {  	[tilespmem:s23], [sflag:$0x2] =	stream.indirect_vreg.gather [hbm4b:s1+s3], $0x80, v29, vm0, $0xb8;
	[tilespmem:$0x10480] =	vst v63  }
0x15d: {  	s24 =	simm.s32 $0x4C80  }
0x15e: {  	[tilespmem:s24], [sflag:$0x2] =	stream.indirect_vreg.gather [hbm4b:s4+s3], $0x80, v29, vm0, $0xb8;
	[tilespmem:$0x10480] =	vst v63  }
0x15f: {  	s24 =	simm.s32 $0x5480  }
0x160: {  	[tilespmem:s24], [sflag:$0x2] =	stream.indirect_vreg.gather [hbm4b:s1+s3], $0x80, v28, vm0, $0xb8;
	[tilespmem:$0x10480] =	vst v63  }
0x161: {  	s24 =	simm.s32 $0x5C80  }
0x162: {  	[tilespmem:s24], [sflag:$0x2] =	stream.indirect_vreg.gather [hbm4b:s4+s3], $0x80, v28, vm0, $0xb8;
	[tilespmem:$0x10480] =	vst v63  }
0x163: {  	v28 =	vld [tilespmem:$0x310];
	_ =	sdelay $0x4  }
0x164: {  	v29 =	vshll.u32 v28, $0x2  }
0x165: {  	v28 =	vand.u32 $0x7, v28;
	v29 =	vand.u32 $0xFFFFFFE0, v29  }
0x166: {  	v28 =	vor.u32 v28, v29  }
0x167: {  	v29 =	vperm.xlane v28, v25;
	_ =	sdelay $0x1  }
0x168: {  	v29 =	vadd.s32 v26, v29;
	_ =	sdelay $0x1  }
0x169: {  	v28 =	vperm.xlane v28, v27;
	_ =	sdelay $0x1  }
0x16a: {  	s24 =	simm.s32 $0x6480;
	v28 =	vadd.s32 v26, v28  }
0x16b: {  	[tilespmem:s24], [sflag:$0x2] =	stream.indirect_vreg.gather [hbm4b:s1+s3], $0x80, v29, vm0, $0xb8;
	[tilespmem:$0x10480] =	vst v63  }
0x16c: {  	s24 =	simm.s32 $0x6C80  }
0x16d: {  	[tilespmem:s24], [sflag:$0x2] =	stream.indirect_vreg.gather [hbm4b:s4+s3], $0x80, v29, vm0, $0xb8;
	[tilespmem:$0x10480] =	vst v63  }
0x16e: {  	s24 =	simm.s32 $0x7480  }
0x16f: {  	[tilespmem:s24], [sflag:$0x2] =	stream.indirect_vreg.gather [hbm4b:s1+s3], $0x80, v28, vm0, $0xb8;
	[tilespmem:$0x10480] =	vst v63  }
0x170: {  	s24 =	simm.s32 $0x7C80  }
0x171: {  	[tilespmem:s24], [sflag:$0x2] =	stream.indirect_vreg.gather [hbm4b:s4+s3], $0x80, v28, vm0, $0xb8;
	[tilespmem:$0x10480] =	vst v63  }
0x172: {  	_ =	swait.ge [sflag:s19], $0x4000  }
0x173: {  	[sflag:s19] =	ssyncset.done $0x0  }
0x174: {  	s24 =	rddreg [dreg:$0x7];
	[sflag:s19] =	ssyncadd.s32 $0xFFFFC000  }
0x175: {  	[hbm4b:s24+s3] =	stream.linear.scatter [tilespmem:s0], [sflag:$0x7], $0x4000, $0x38;
	[tilespmem:$0x10480] =	vst v63  }
0x176: {  	_ =	swait.ge [sflag:s20], $0x4000  }
0x177: {  	[sflag:s20] =	ssyncset.done $0x0  }
0x178: {  	[sflag:s20] =	ssyncadd.s32 $0xFFFFC000  }
0x179: {  	v28 =	vld [tilespmem:$0x380];
	_ =	sdelay $0x4  }
0x17a: {  	v29 =	vshll.u32 v28, $0x2  }
0x17b: {  	v28 =	vand.u32 $0x7, v28;
	v29 =	vand.u32 $0xFFFFFFE0, v29  }
0x17c: {  	v28 =	vor.u32 v28, v29  }
0x17d: {  	v29 =	vperm.xlane v28, v25;
	_ =	sdelay $0x1  }
0x17e: {  	v29 =	vadd.s32 v26, v29;
	_ =	sdelay $0x1  }
0x17f: {  	v28 =	vperm.xlane v28, v27;
	_ =	sdelay $0x1  }
0x180: {  	v28 =	vadd.s32 v26, v28  }
0x181: {  	[tilespmem:s0], [sflag:$0x3] =	stream.indirect_vreg.gather [hbm4b:s1+s3], $0x80, v29, vm0, $0xb8;
	[tilespmem:$0x10480] =	vst v63  }
0x182: {  	_ = 	snop  }
0x183: {  	[tilespmem:s13], [sflag:$0x3] =	stream.indirect_vreg.gather [hbm4b:s4+s3], $0x80, v29, vm0, $0xb8;
	[tilespmem:$0x10480] =	vst v63  }
0x184: {  	_ = 	snop  }
0x185: {  	[tilespmem:s25], [sflag:$0x3] =	stream.indirect_vreg.gather [hbm4b:s1+s3], $0x80, v28, vm0, $0xb8;
	[tilespmem:$0x10480] =	vst v63  }
0x186: {  	_ = 	snop  }
0x187: {  	[tilespmem:s26], [sflag:$0x3] =	stream.indirect_vreg.gather [hbm4b:s4+s3], $0x80, v28, vm0, $0xb8;
	[tilespmem:$0x10480] =	vst v63  }
0x188: {  	v28 =	vld [tilespmem:$0x390];
	_ =	sdelay $0x4  }
0x189: {  	v29 =	vshll.u32 v28, $0x2  }
0x18a: {  	v28 =	vand.u32 $0x7, v28;
	v29 =	vand.u32 $0xFFFFFFE0, v29  }
0x18b: {  	v28 =	vor.u32 v28, v29  }
0x18c: {  	v29 =	vperm.xlane v28, v25;
	_ =	sdelay $0x1  }
0x18d: {  	v29 =	vadd.s32 v26, v29;
	_ =	sdelay $0x1  }
0x18e: {  	v28 =	vperm.xlane v28, v27;
	_ =	sdelay $0x1  }
0x18f: {  	v28 =	vadd.s32 v26, v28  }
0x190: {  	[tilespmem:s12], [sflag:$0x3] =	stream.indirect_vreg.gather [hbm4b:s1+s3], $0x80, v29, vm0, $0xb8;
	[tilespmem:$0x10480] =	vst v63  }
0x191: {  	_ = 	snop  }
0x192: {  	[tilespmem:s11], [sflag:$0x3] =	stream.indirect_vreg.gather [hbm4b:s4+s3], $0x80, v29, vm0, $0xb8;
	[tilespmem:$0x10480] =	vst v63  }
0x193: {  	_ = 	snop  }
0x194: {  	[tilespmem:s10], [sflag:$0x3] =	stream.indirect_vreg.gather [hbm4b:s1+s3], $0x80, v28, vm0, $0xb8;
	[tilespmem:$0x10480] =	vst v63  }
0x195: {  	_ = 	snop  }
0x196: {  	[tilespmem:s9], [sflag:$0x3] =	stream.indirect_vreg.gather [hbm4b:s4+s3], $0x80, v28, vm0, $0xb8;
	[tilespmem:$0x10480] =	vst v63  }
0x197: {  	_ =	swait.ge [sflag:s21], $0x4000  }
0x198: {  	[sflag:s21] =	ssyncset.done $0x0  }
0x199: {  	s24 =	rddreg [dreg:$0x8];
	[sflag:s21] =	ssyncadd.s32 $0xFFFFC000  }
0x19a: {  	[hbm4b:s24+s3] =	stream.linear.scatter [tilespmem:s14], [sflag:$0x8], $0x4000, $0x38;
	[tilespmem:$0x10480] =	vst v63  }
0x19b: {  	_ =	swait.ge [sflag:s22], $0x4000  }
0x19c: {  	[sflag:s22] =	ssyncset.done $0x0  }
0x19d: {  	[sflag:s22] =	ssyncadd.s32 $0xFFFFC000  }
0x19e: {  	v28 =	vld [tilespmem:$0x400];
	_ =	sdelay $0x4  }
0x19f: {  	v29 =	vshll.u32 v28, $0x2  }
0x1a0: {  	v28 =	vand.u32 $0x7, v28;
	v29 =	vand.u32 $0xFFFFFFE0, v29  }
0x1a1: {  	v28 =	vor.u32 v28, v29  }
0x1a2: {  	v29 =	vperm.xlane v28, v25;
	_ =	sdelay $0x1  }
0x1a3: {  	v29 =	vadd.s32 v26, v29;
	_ =	sdelay $0x1  }
0x1a4: {  	v28 =	vperm.xlane v28, v27;
	_ =	sdelay $0x1  }
0x1a5: {  	v28 =	vadd.s32 v26, v28  }
0x1a6: {  	[tilespmem:s14], [sflag:$0x4] =	stream.indirect_vreg.gather [hbm4b:s1+s3], $0x80, v29, vm0, $0xb8;
	[tilespmem:$0x10480] =	vst v63  }
0x1a7: {  	_ = 	snop  }
0x1a8: {  	[tilespmem:s8], [sflag:$0x4] =	stream.indirect_vreg.gather [hbm4b:s4+s3], $0x80, v29, vm0, $0xb8;
	[tilespmem:$0x10480] =	vst v63  }
0x1a9: {  	_ = 	snop  }
0x1aa: {  	[tilespmem:s6], [sflag:$0x4] =	stream.indirect_vreg.gather [hbm4b:s1+s3], $0x80, v28, vm0, $0xb8;
	[tilespmem:$0x10480] =	vst v63  }
0x1ab: {  	_ = 	snop  }
0x1ac: {  	[tilespmem:s7], [sflag:$0x4] =	stream.indirect_vreg.gather [hbm4b:s4+s3], $0x80, v28, vm0, $0xb8;
	[tilespmem:$0x10480] =	vst v63  }
0x1ad: {  	v28 =	vld [tilespmem:$0x410];
	_ =	sdelay $0x4  }
0x1ae: {  	v29 =	vshll.u32 v28, $0x2  }
0x1af: {  	v28 =	vand.u32 $0x7, v28;
	v29 =	vand.u32 $0xFFFFFFE0, v29  }
0x1b0: {  	v28 =	vor.u32 v28, v29  }
0x1b1: {  	v29 =	vperm.xlane v28, v25;
	_ =	sdelay $0x1  }
0x1b2: {  	v29 =	vadd.s32 v26, v29;
	_ =	sdelay $0x1  }
0x1b3: {  	v28 =	vperm.xlane v28, v27;
	_ =	sdelay $0x1  }
0x1b4: {  	v28 =	vadd.s32 v26, v28  }
0x1b5: {  	[tilespmem:s2], [sflag:$0x4] =	stream.indirect_vreg.gather [hbm4b:s1+s3], $0x80, v29, vm0, $0xb8;
	[tilespmem:$0x10480] =	vst v63  }
0x1b6: {  	_ = 	snop  }
0x1b7: {  	[tilespmem:s31], [sflag:$0x4] =	stream.indirect_vreg.gather [hbm4b:s4+s3], $0x80, v29, vm0, $0xb8;
	[tilespmem:$0x10480] =	vst v63  }
0x1b8: {  	_ = 	snop  }
0x1b9: {  	[tilespmem:s30], [sflag:$0x4] =	stream.indirect_vreg.gather [hbm4b:s1+s3], $0x80, v28, vm0, $0xb8;
	[tilespmem:$0x10480] =	vst v63  }
0x1ba: {  	_ = 	snop  }
0x1bb: {  	[tilespmem:s29], [sflag:$0x4] =	stream.indirect_vreg.gather [hbm4b:s4+s3], $0x80, v28, vm0, $0xb8;
	[tilespmem:$0x10480] =	vst v63  }
0x1bc: {  	_ =	swait.ge [sflag:s28], $0x4000  }
0x1bd: {  	[sflag:s28] =	ssyncset.done $0x0  }
0x1be: {  	s2 =	rddreg [dreg:$0x9];
	[sflag:s28] =	ssyncadd.s32 $0xFFFFC000  }
0x1bf: {  	[hbm4b:s2+s3] =	stream.linear.scatter [tilespmem:s15], [sflag:$0x5], $0x4000, $0x38;
	[tilespmem:$0x10480] =	vst v63  }
0x1c0: {  	_ =	swait.ge [sflag:s17], $0x4000  }
0x1c1: {  	[sflag:s17] =	ssyncset.done $0x0  }
0x1c2: {  	s2 =	rddreg [dreg:$0xa];
	[sflag:s17] =	ssyncadd.s32 $0xFFFFC000  }
0x1c3: {  	[hbm4b:s2+s3] =	stream.linear.scatter [tilespmem:s23], [sflag:$0x6], $0x4000, $0x38;
	[tilespmem:$0x10480] =	vst v63  }
0x1c4: {  	_ =	swait.ge [sflag:s19], $0x4000  }
0x1c5: {  	[sflag:s19] =	ssyncset.done $0x0  }
0x1c6: {  	s2 =	rddreg [dreg:$0xb];
	[sflag:s19] =	ssyncadd.s32 $0xFFFFC000  }
0x1c7: {  	[hbm4b:s2+s3] =	stream.linear.scatter [tilespmem:s0], [sflag:$0x7], $0x4000, $0x38;
	[tilespmem:$0x10480] =	vst v63  }
0x1c8: {  	_ =	swait.ge [sflag:s21], $0x4000  }
0x1c9: {  	[sflag:s21] =	ssyncset.done $0x0  }
0x1ca: {  	s2 =	rddreg [dreg:$0xc];
	[sflag:s21] =	ssyncadd.s32 $0xFFFFC000  }
0x1cb: {  	[hbm4b:s2+s3] =	stream.linear.scatter [tilespmem:s14], [sflag:$0x8], $0x4000, $0x38;
	[tilespmem:$0x10480] =	vst v63  }
0x1cc: {  	_ =	swait.ge [sflag:s16], $0x4000  }
0x1cd: {  	[sflag:s16] =	ssyncset.done $0x0  }
0x1ce: {  	[sflag:s16] =	ssyncadd.s32 $0xFFFFC000  }
0x1cf: {  	_ =	swait.ge [sflag:s18], $0x4000  }
0x1d0: {  	[sflag:s18] =	ssyncset.done $0x0  }
0x1d1: {  	[sflag:s18] =	ssyncadd.s32 $0xFFFFC000  }
0x1d2: {  	p0 =	sne.s32 s5, $0x1;
	_ =	swait.ge [sflag:s20], $0x4000  }
.Ltmp0:
0x1d3: {  	[sflag:s20] =	ssyncset.done $0x0;
	(pc) =	sbr.rel @p0 .LBB2_1-.Ltmp0, $4  }
0x1d4: {  	[sflag:s20] =	ssyncadd.s32 $0xFFFFC000  }
0x1d5: {  	_ =	swait.ge [sflag:s22], $0x4000  }
0x1d6: {  	[sflag:s22] =	ssyncset.done $0x0  }
0x1d7: {  	s5 =	sadd.s32 $0xFFFFFFFF, s5;
	[sflag:s22] =	ssyncadd.s32 $0xFFFFC000  }
0x1d8: {  	_ =	sfence.sel $0x180000  }
0x1d9: {  	[bflag:$0x0] =	sbarrier.arrive $0xFFFF  }
0x1da: {  	_ =	strace $0x90000047  }
0x1db: {  	s0 =	stileid.u32;
	[bflag:$0x2] =	sbarrier.arrive $0xFFFF  }
0x1dc: {  	p0 =	sne.s32 s0, $0x0;
	s0 =	rddreg [dreg:$0x3]  }
0x1dd: {  	s0 =	sadd.s32 @!p0 $0x100000, s0  }
0x1de: {  	[sflag:s0] =	ssyncadd.tile.s32 @!p0 $0x1;
	_ =	shalt  }
.Lfunc_end2:
_tile_overlayer_lowered:
.L_overlay_start_2:
0x1df: {  	(tag) =	ssettag $0x2  }
0x1e0: {  	s0 =	rddreg [dreg:$0x0];
	s2 =	stileid.u32  }
0x1e1: {  	s1 =	rddreg [dreg:$0x1];
	p0 =	sne.s32 s2, $0x0  }
0x1e2: {  	s3 =	rddreg [dreg:$0x2];
	[bflag:$0x3] =	sbarrier.arrive $0xFFFF;
	s2 =	simm.s32 @!p0 $0x1C09  }
0x1e3: {  	[timem:s3], [sflag:s2] =	dma.local @!p0 [hbm:s0], s1  }
0x1e4: {  	s0 =	simm.s32 @!p0 $0x9  }
0x1e5: {  	_ =	swait.ge @!p0 [sflag:s0], s1  }
0x1e6: {  	s1 =	ssub.s32 @!p0 $0x0, s1;
	[sflag:s0] =	ssyncset.done @!p0 $0x0  }
0x1e7: {  	[sflag:s0] =	ssyncadd.s32 @!p0 s1  }
0x1e8: {  	[bflag:$0x3] =	sbarrier.arrive $0xFFFF  }
0x1e9: {  	_ =	shalt  }

</sc_bundles>
